<compile_context>
chip_gen: v7x
topology: tpu7x:2x2x1
jax: 0.10.2.dev20260603
libtpu: 0.0.44.dev20260713+nightly
codegen_flags: <defaults>
</compile_context>

<pallas_src>
import functools

import jax
import jax.numpy as jnp
from jax import lax
from jax.experimental import pallas as pl
from jax.experimental.pallas import tpu as pltpu
from jax.experimental.pallas import tpu_sc as plsc

_NUM_TILES = 16
_L = 16
_LN2_OVER_2P23 = 0.6931471805599453 / (1 << 23)
_ONE_BITS = 0x3F800000


def _log_newton(s):
  bits = lax.bitcast_convert_type(s, jnp.int32)
  logv = (bits - _ONE_BITS).astype(jnp.float32) * _LN2_OVER_2P23
  for _ in range(2):
    logv = logv - 1.0 + s * jnp.exp(-logv)
  return logv


def _tree_reduce(vals, op):
  vals = list(vals)
  while len(vals) > 1:
    nxt = [op(vals[i], vals[i + 1]) for i in range(0, len(vals) - 1, 2)]
    if len(vals) % 2:
      nxt.append(vals[-1])
    vals = nxt
  return vals[0]


def _depth_loss_sc(C, M, bin_w, res_w, pb_flat, pr_flat, idx, tb, mf, out,
                   idx_v, tb_v, mf_v, brow, rrow, part, allp, outv,
                   shared, sem, sem2, sem3):
  tid = lax.axis_index("s")
  n_groups = M // _L
  lane = jnp.arange(_L, dtype=jnp.int32)

  ci = pltpu.async_copy(idx.at[tid], idx_v, sem)
  cb = pltpu.async_copy(tb.at[tid], tb_v, sem2)
  cf = pltpu.async_copy(mf.at[tid], mf_v, sem3)
  ci.wait()

  copies = [pltpu.async_copy(pb_flat.at[idx_v.at[pl.ds(c * M, M)]],
                             brow.at[pl.ds(c * M, M)], sem)
            for c in range(C)]
  copies.append(pltpu.async_copy(pr_flat.at[idx_v.at[pl.ds(C * M, M)]],
                                 rrow, sem))
  cb.wait()
  cf.wait()
  for cp in copies:
    cp.wait()

  ces = []
  l1s = []
  mks = []
  for g in range(n_groups):
    o = g * _L
    vs = [brow[pl.ds(c * M + o, _L)] for c in range(C)]
    m = _tree_reduce(vs, jnp.maximum)
    s = _tree_reduce([jnp.exp(v - m) for v in vs], jnp.add)
    lse = m + _log_newton(s)
    tbv = tb_v[pl.ds(o, _L)]
    vt = jnp.zeros((_L,), jnp.float32)
    for c in range(C):
      vt = jnp.where(tbv == c, vs[c], vt)
    mk = mf_v[pl.ds(1 * M + o, _L)]
    ces.append((lse - vt) * mk)
    l1s.append(jnp.abs(rrow[pl.ds(o, _L)] - mf_v[pl.ds(0 * M + o, _L)]) * mk)
    mks.append(mk)

  part[pl.ds(0 * _L, _L)] = _tree_reduce(ces, jnp.add)
  part[pl.ds(1 * _L, _L)] = _tree_reduce(l1s, jnp.add)
  part[pl.ds(2 * _L, _L)] = _tree_reduce(mks, jnp.add)
  pltpu.sync_copy(part, shared.at[pl.ds(tid * 3 * _L, 3 * _L)])
  plsc.subcore_barrier()

  @pl.when(tid == 0)
  def _finish():
    pltpu.sync_copy(shared, allp)
    tot_ce = allp[pl.ds(0, _L)]
    tot_l1 = allp[pl.ds(_L, _L)]
    tot_mk = allp[pl.ds(2 * _L, _L)]
    for w in range(1, _NUM_TILES):
      tot_ce = tot_ce + allp[pl.ds((w * 3 + 0) * _L, _L)]
      tot_l1 = tot_l1 + allp[pl.ds((w * 3 + 1) * _L, _L)]
      tot_mk = tot_mk + allp[pl.ds((w * 3 + 2) * _L, _L)]
    ce_v = jnp.full((_L,), jnp.sum(tot_ce), jnp.float32)
    l1_v = jnp.full((_L,), jnp.sum(tot_l1), jnp.float32)
    denom = jnp.maximum(jnp.full((_L,), jnp.sum(tot_mk), jnp.float32), 1.0)
    bin_loss = ce_v / denom
    res_loss = l1_v / denom
    total = bin_w * bin_loss + res_w * res_loss
    sel = jnp.where(lane == 0, bin_loss,
                    jnp.where(lane == 1, res_loss, total))
    outv[...] = sel
    pltpu.sync_copy(outv, out)


def kernel(pred_bins, pred_residuals, target_bins, target_residuals, indices,
           mask):
  B, C, H, W = pred_bins.shape
  M = target_bins.shape[1]
  y = jnp.clip(indices[..., 0].astype(jnp.int32), 0, H - 1)
  x = jnp.clip(indices[..., 1].astype(jnp.int32), 0, W - 1)
  tb = jnp.clip(target_bins.astype(jnp.int32), 0, C - 1)
  off0 = jnp.arange(B, dtype=jnp.int32)[:, None] * (C * H * W) + y * W + x
  bidx = off0[:, None, :] + (jnp.arange(C, dtype=jnp.int32) *
                             (H * W))[None, :, None]
  ridx = off0 + tb * (H * W)
  idx = jnp.concatenate([bidx.reshape(B, C * M), ridx], axis=1)
  mf = jnp.stack([target_residuals, mask], axis=1).reshape(B, 2 * M)
  pb_flat = pred_bins.reshape(-1)
  pr_flat = pred_residuals.reshape(-1)

  mesh = plsc.VectorSubcoreMesh(core_axis_name="c", subcore_axis_name="s",
                                num_cores=1)
  body = functools.partial(_depth_loss_sc, C, M, 1.0, 0.1)
  out = pl.kernel(
      body,
      out_type=jax.ShapeDtypeStruct((_L,), jnp.float32),
      mesh=mesh,
      compiler_params=pltpu.CompilerParams(needs_layout_passes=False),
      scratch_types=[
          pltpu.VMEM(((C + 1) * M,), jnp.int32),
          pltpu.VMEM((M,), jnp.int32),
          pltpu.VMEM((2 * M,), jnp.float32),
          pltpu.VMEM((C * M,), jnp.float32),
          pltpu.VMEM((M,), jnp.float32),
          pltpu.VMEM((3 * _L,), jnp.float32),
          pltpu.VMEM((_NUM_TILES * 3 * _L,), jnp.float32),
          pltpu.VMEM((_L,), jnp.float32),
          pltpu.VMEM_SHARED((_NUM_TILES * 3 * _L,), jnp.float32),
          pltpu.SemaphoreType.DMA,
          pltpu.SemaphoreType.DMA,
          pltpu.SemaphoreType.DMA,
      ],
  )(pb_flat, pr_flat, idx, tb, mf)
  return (out[0], out[1], out[2])

# --- scband reference (transcript-rebuilt; emitter-appended) ---
"""Pipeline reference for scband-depth-loss-9655086482025 (READ-ONLY COPY).

The authoritative reference and input builder live on the scoring server;
editing this copy changes nothing except your own understanding.
"""

import jax, jax.numpy as jnp
import numpy as np

NUM_BINS = 6
BIN_WEIGHT = 1.0
RESIDUAL_WEIGHT = 0.1


def setup_inputs(seed: int = 0) -> dict:
    key = jax.random.key(seed)
    ks = jax.random.split(key, 6)
    B, M, H, W = 16, 128, 128, 128
    pred_bins = jax.random.normal(ks[0], (B, NUM_BINS, H, W), dtype=jnp.float32)
    pred_residuals = jax.random.normal(ks[1], (B, NUM_BINS, H, W), dtype=jnp.float32)
    target_bins = jax.random.randint(ks[2], (B, M), 0, NUM_BINS, dtype=jnp.int32)
    target_residuals = jax.random.normal(ks[3], (B, M), dtype=jnp.float32)
    indices = jax.random.randint(ks[4], (B, M, 2), 0, H, dtype=jnp.int32)
    mask = jnp.ones((B, M), dtype=jnp.float32)
    return {
        'pred_bins': pred_bins,
        'pred_residuals': pred_residuals,
        'target_bins': target_bins,
        'target_residuals': target_residuals,
        'indices': indices,
        'mask': mask,
    }


def reference(pred_bins, pred_residuals, target_bins, target_residuals, indices, mask):
    B, C, H, W = pred_bins.shape
    y = jnp.clip(indices[..., 0].astype(jnp.int32), 0, H - 1)
    x = jnp.clip(indices[..., 1].astype(jnp.int32), 0, W - 1)
    b_idx = jnp.arange(B)[:, None, None]            # (B,1,1)
    c_idx = jnp.arange(C)[None, None, :]            # (1,1,C)
    y_idx = y[:, :, None]                           # (B,M,1)
    x_idx = x[:, :, None]                           # (B,M,1)
    # out[b,o,c] = pred[b,c,y[b,o],x[b,o]]  (matches per-batch gather + transpose)
    pred_bins_gathered = pred_bins[b_idx, c_idx, y_idx, x_idx]          # (B,M,C)
    pred_residuals_gathered = pred_residuals[b_idx, c_idx, y_idx, x_idx]  # (B,M,C)

    pred_bins_flat = pred_bins_gathered.reshape(-1, C)
    pred_residuals_flat = pred_residuals_gathered.reshape(-1, C)
    target_bins_flat = target_bins.reshape(-1)
    target_residuals_flat = target_residuals.reshape(-1)
    mask_flat = mask.reshape(-1)

    num_valid = jnp.sum(mask_flat)
    denom = jnp.maximum(num_valid, 1.0)

    # masked-mean cross entropy == mean over valid entries for binary mask
    logp = jax.nn.log_softmax(pred_bins_flat, axis=-1)
    ce = -jnp.take_along_axis(logp, target_bins_flat[:, None], axis=1)[:, 0]
    bin_loss = jnp.sum(ce * mask_flat) / denom

    pred_res_sel = jnp.take_along_axis(pred_residuals_flat, target_bins_flat[:, None], axis=1)[:, 0]
    l1 = jnp.abs(pred_res_sel - target_residuals_flat)
    residual_loss = jnp.sum(l1 * mask_flat) / denom

    total_loss = BIN_WEIGHT * bin_loss + RESIDUAL_WEIGHT * residual_loss
    return (bin_loss, residual_loss, total_loss)

if __name__ == "__main__":
    import jax
    _d = setup_inputs()
    print(jax.jit(kernel)(*tuple(_d.values())))

</pallas_src>

<mosaic_0001>
#map = affine_map<(d0, d1) -> (0)>
#map1 = affine_map<(d0, d1) -> (0, 0)>
module attributes {stable_mosaic.version = 14 : i64} {
  func.func @_depth_loss_sc(%arg0: i32, %arg1: i32, %arg2: memref<1572864xf32, #tpu.memory_space<hbm>>, %arg3: memref<1572864xf32, #tpu.memory_space<hbm>>, %arg4: memref<16x896xi32, #tpu.memory_space<hbm>>, %arg5: memref<16x128xi32, #tpu.memory_space<hbm>>, %arg6: memref<16x256xf32, #tpu.memory_space<hbm>>, %arg7: memref<16xf32, #tpu.memory_space<hbm>>, %arg8: memref<896xi32, #tpu.memory_space<vmem>>, %arg9: memref<128xi32, #tpu.memory_space<vmem>>, %arg10: memref<256xf32, #tpu.memory_space<vmem>>, %arg11: memref<768xf32, #tpu.memory_space<vmem>>, %arg12: memref<128xf32, #tpu.memory_space<vmem>>, %arg13: memref<48xf32, #tpu.memory_space<vmem>>, %arg14: memref<768xf32, #tpu.memory_space<vmem>>, %arg15: memref<16xf32, #tpu.memory_space<vmem>>, %arg16: memref<768xf32, #tpu.memory_space<vmem_shared>>, %arg17: memref<!tpu.dma_semaphore, #tpu.memory_space<semaphore_mem>>, %arg18: memref<!tpu.dma_semaphore, #tpu.memory_space<semaphore_mem>>, %arg19: memref<!tpu.dma_semaphore, #tpu.memory_space<semaphore_mem>>) attributes {dimension_semantics = [#tpu.dimension_semantics<core_parallel>, #tpu.dimension_semantics<subcore_parallel>], iteration_bounds = array<i64: 1, 16>, scalar_prefetch = 0 : i64, scratch_operands = 12 : i64, tpu.core_type = #tpu.core_type<sc_vector_subcore>, window_params = [{transform_indices = #map}, {transform_indices = #map}, {transform_indices = #map1}, {transform_indices = #map1}, {transform_indices = #map1}, {transform_indices = #map}]} {
    %iota3A = tpu.iota {dimensions = array<i32: 0>} : vector<16xi32>
    %dma_start3A = arith.constant 0 : i32
    %dma_start3A_0 = tpu.memref_slice %arg4[%arg1, %dma_start3A] : memref<16x896xi32, #tpu.memory_space<hbm>> -> memref<1x896xi32, #tpu.memory_space<hbm>>
    %dma_start3A_1 = tpu.memref_squeeze %dma_start3A_0 : memref<1x896xi32, #tpu.memory_space<hbm>> -> memref<896xi32, #tpu.memory_space<hbm>>
    %dma_start3A_2 = arith.constant 0 : i32
    %dma_start3A_3 = tpu.memref_slice %arg4[%arg1, %dma_start3A_2] : memref<16x896xi32, #tpu.memory_space<hbm>> -> memref<1x896xi32, #tpu.memory_space<hbm>>
    %dma_start3A_4 = tpu.memref_squeeze %dma_start3A_3 : memref<1x896xi32, #tpu.memory_space<hbm>> -> memref<896xi32, #tpu.memory_space<hbm>>
    tpu.enqueue_dma source(%dma_start3A_4 : memref<896xi32, #tpu.memory_space<hbm>>) target(%arg8 : memref<896xi32, #tpu.memory_space<vmem>>) target_semaphore(%arg17 : memref<!tpu.dma_semaphore, #tpu.memory_space<semaphore_mem>>)
    %dma_start3A_5 = arith.constant 0 : i32
    %dma_start3A_6 = tpu.memref_slice %arg5[%arg1, %dma_start3A_5] : memref<16x128xi32, #tpu.memory_space<hbm>> -> memref<1x128xi32, #tpu.memory_space<hbm>>
    %dma_start3A_7 = tpu.memref_squeeze %dma_start3A_6 : memref<1x128xi32, #tpu.memory_space<hbm>> -> memref<128xi32, #tpu.memory_space<hbm>>
    %dma_start3A_8 = arith.constant 0 : i32
    %dma_start3A_9 = tpu.memref_slice %arg5[%arg1, %dma_start3A_8] : memref<16x128xi32, #tpu.memory_space<hbm>> -> memref<1x128xi32, #tpu.memory_space<hbm>>
    %dma_start3A_10 = tpu.memref_squeeze %dma_start3A_9 : memref<1x128xi32, #tpu.memory_space<hbm>> -> memref<128xi32, #tpu.memory_space<hbm>>
    tpu.enqueue_dma source(%dma_start3A_10 : memref<128xi32, #tpu.memory_space<hbm>>) target(%arg9 : memref<128xi32, #tpu.memory_space<vmem>>) target_semaphore(%arg18 : memref<!tpu.dma_semaphore, #tpu.memory_space<semaphore_mem>>)
    %dma_start3A_11 = arith.constant 0 : i32
    %dma_start3A_12 = tpu.memref_slice %arg6[%arg1, %dma_start3A_11] : memref<16x256xf32, #tpu.memory_space<hbm>> -> memref<1x256xf32, #tpu.memory_space<hbm>>
    %dma_start3A_13 = tpu.memref_squeeze %dma_start3A_12 : memref<1x256xf32, #tpu.memory_space<hbm>> -> memref<256xf32, #tpu.memory_space<hbm>>
    %dma_start3A_14 = arith.constant 0 : i32
    %dma_start3A_15 = tpu.memref_slice %arg6[%arg1, %dma_start3A_14] : memref<16x256xf32, #tpu.memory_space<hbm>> -> memref<1x256xf32, #tpu.memory_space<hbm>>
    %dma_start3A_16 = tpu.memref_squeeze %dma_start3A_15 : memref<1x256xf32, #tpu.memory_space<hbm>> -> memref<256xf32, #tpu.memory_space<hbm>>
    tpu.enqueue_dma source(%dma_start3A_16 : memref<256xf32, #tpu.memory_space<hbm>>) target(%arg10 : memref<256xf32, #tpu.memory_space<vmem>>) target_semaphore(%arg19 : memref<!tpu.dma_semaphore, #tpu.memory_space<semaphore_mem>>)
    %dma_wait3A = arith.constant 0 : i32
    %dma_wait3A_17 = tpu.memref_slice %arg4[%arg1, %dma_wait3A] : memref<16x896xi32, #tpu.memory_space<hbm>> -> memref<1x896xi32, #tpu.memory_space<hbm>>
    %dma_wait3A_18 = tpu.memref_squeeze %dma_wait3A_17 : memref<1x896xi32, #tpu.memory_space<hbm>> -> memref<896xi32, #tpu.memory_space<hbm>>
    %dma_wait3A_19 = arith.constant 0 : i32
    %dma_wait3A_20 = tpu.memref_slice %arg4[%arg1, %dma_wait3A_19] : memref<16x896xi32, #tpu.memory_space<hbm>> -> memref<1x896xi32, #tpu.memory_space<hbm>>
    %dma_wait3A_21 = tpu.memref_squeeze %dma_wait3A_20 : memref<1x896xi32, #tpu.memory_space<hbm>> -> memref<896xi32, #tpu.memory_space<hbm>>
    tpu.wait_dma2 semaphore(%arg17 : memref<!tpu.dma_semaphore, #tpu.memory_space<semaphore_mem>>) src(%dma_wait3A_21 : memref<896xi32, #tpu.memory_space<hbm>>) dst(%arg8 : memref<896xi32, #tpu.memory_space<vmem>>)
    %dma_start3A_22 = arith.constant 0 : i32
    %dma_start3A_23 = tpu.memref_slice %arg11[%dma_start3A_22] : memref<768xf32, #tpu.memory_space<vmem>> -> memref<128xf32, #tpu.memory_space<vmem>>
    %dma_start3A_24 = arith.constant 0 : i32
    %dma_start3A_25 = tpu.memref_slice %arg8[%dma_start3A_24] : memref<896xi32, #tpu.memory_space<vmem>> -> memref<128xi32, #tpu.memory_space<vmem>>
    %dma_start3A_26 = arith.constant 0 : i32
    %dma_start3A_27 = tpu.memref_slice %arg2[%dma_start3A_26] : memref<1572864xf32, #tpu.memory_space<hbm>> -> memref<1572864xf32, #tpu.memory_space<hbm>>
    tpu.enqueue_indirect_dma source(%dma_start3A_27 : memref<1572864xf32, #tpu.memory_space<hbm>>) target(%dma_start3A_23 : memref<128xf32, #tpu.memory_space<vmem>>) offsets(%dma_start3A_25 : memref<128xi32, #tpu.memory_space<vmem>>) semaphore(%arg17 : memref<!tpu.dma_semaphore, #tpu.memory_space<semaphore_mem>>)
    %dma_start3A_28 = arith.constant 128 : i32
    %dma_start3A_29 = tpu.memref_slice %arg11[%dma_start3A_28] : memref<768xf32, #tpu.memory_space<vmem>> -> memref<128xf32, #tpu.memory_space<vmem>>
    %dma_start3A_30 = arith.constant 128 : i32
    %dma_start3A_31 = tpu.memref_slice %arg8[%dma_start3A_30] : memref<896xi32, #tpu.memory_space<vmem>> -> memref<128xi32, #tpu.memory_space<vmem>>
    %dma_start3A_32 = arith.constant 0 : i32
    %dma_start3A_33 = tpu.memref_slice %arg2[%dma_start3A_32] : memref<1572864xf32, #tpu.memory_space<hbm>> -> memref<1572864xf32, #tpu.memory_space<hbm>>
    tpu.enqueue_indirect_dma source(%dma_start3A_33 : memref<1572864xf32, #tpu.memory_space<hbm>>) target(%dma_start3A_29 : memref<128xf32, #tpu.memory_space<vmem>>) offsets(%dma_start3A_31 : memref<128xi32, #tpu.memory_space<vmem>>) semaphore(%arg17 : memref<!tpu.dma_semaphore, #tpu.memory_space<semaphore_mem>>)
    %dma_start3A_34 = arith.constant 256 : i32
    %dma_start3A_35 = tpu.memref_slice %arg11[%dma_start3A_34] : memref<768xf32, #tpu.memory_space<vmem>> -> memref<128xf32, #tpu.memory_space<vmem>>
    %dma_start3A_36 = arith.constant 256 : i32
    %dma_start3A_37 = tpu.memref_slice %arg8[%dma_start3A_36] : memref<896xi32, #tpu.memory_space<vmem>> -> memref<128xi32, #tpu.memory_space<vmem>>
    %dma_start3A_38 = arith.constant 0 : i32
    %dma_start3A_39 = tpu.memref_slice %arg2[%dma_start3A_38] : memref<1572864xf32, #tpu.memory_space<hbm>> -> memref<1572864xf32, #tpu.memory_space<hbm>>
    tpu.enqueue_indirect_dma source(%dma_start3A_39 : memref<1572864xf32, #tpu.memory_space<hbm>>) target(%dma_start3A_35 : memref<128xf32, #tpu.memory_space<vmem>>) offsets(%dma_start3A_37 : memref<128xi32, #tpu.memory_space<vmem>>) semaphore(%arg17 : memref<!tpu.dma_semaphore, #tpu.memory_space<semaphore_mem>>)
    %dma_start3A_40 = arith.constant 384 : i32
    %dma_start3A_41 = tpu.memref_slice %arg11[%dma_start3A_40] : memref<768xf32, #tpu.memory_space<vmem>> -> memref<128xf32, #tpu.memory_space<vmem>>
    %dma_start3A_42 = arith.constant 384 : i32
    %dma_start3A_43 = tpu.memref_slice %arg8[%dma_start3A_42] : memref<896xi32, #tpu.memory_space<vmem>> -> memref<128xi32, #tpu.memory_space<vmem>>
    %dma_start3A_44 = arith.constant 0 : i32
    %dma_start3A_45 = tpu.memref_slice %arg2[%dma_start3A_44] : memref<1572864xf32, #tpu.memory_space<hbm>> -> memref<1572864xf32, #tpu.memory_space<hbm>>
    tpu.enqueue_indirect_dma source(%dma_start3A_45 : memref<1572864xf32, #tpu.memory_space<hbm>>) target(%dma_start3A_41 : memref<128xf32, #tpu.memory_space<vmem>>) offsets(%dma_start3A_43 : memref<128xi32, #tpu.memory_space<vmem>>) semaphore(%arg17 : memref<!tpu.dma_semaphore, #tpu.memory_space<semaphore_mem>>)
    %dma_start3A_46 = arith.constant 512 : i32
    %dma_start3A_47 = tpu.memref_slice %arg11[%dma_start3A_46] : memref<768xf32, #tpu.memory_space<vmem>> -> memref<128xf32, #tpu.memory_space<vmem>>
    %dma_start3A_48 = arith.constant 512 : i32
    %dma_start3A_49 = tpu.memref_slice %arg8[%dma_start3A_48] : memref<896xi32, #tpu.memory_space<vmem>> -> memref<128xi32, #tpu.memory_space<vmem>>
    %dma_start3A_50 = arith.constant 0 : i32
    %dma_start3A_51 = tpu.memref_slice %arg2[%dma_start3A_50] : memref<1572864xf32, #tpu.memory_space<hbm>> -> memref<1572864xf32, #tpu.memory_space<hbm>>
    tpu.enqueue_indirect_dma source(%dma_start3A_51 : memref<1572864xf32, #tpu.memory_space<hbm>>) target(%dma_start3A_47 : memref<128xf32, #tpu.memory_space<vmem>>) offsets(%dma_start3A_49 : memref<128xi32, #tpu.memory_space<vmem>>) semaphore(%arg17 : memref<!tpu.dma_semaphore, #tpu.memory_space<semaphore_mem>>)
    %dma_start3A_52 = arith.constant 640 : i32
    %dma_start3A_53 = tpu.memref_slice %arg11[%dma_start3A_52] : memref<768xf32, #tpu.memory_space<vmem>> -> memref<128xf32, #tpu.memory_space<vmem>>
    %dma_start3A_54 = arith.constant 640 : i32
    %dma_start3A_55 = tpu.memref_slice %arg8[%dma_start3A_54] : memref<896xi32, #tpu.memory_space<vmem>> -> memref<128xi32, #tpu.memory_space<vmem>>
    %dma_start3A_56 = arith.constant 0 : i32
    %dma_start3A_57 = tpu.memref_slice %arg2[%dma_start3A_56] : memref<1572864xf32, #tpu.memory_space<hbm>> -> memref<1572864xf32, #tpu.memory_space<hbm>>
    tpu.enqueue_indirect_dma source(%dma_start3A_57 : memref<1572864xf32, #tpu.memory_space<hbm>>) target(%dma_start3A_53 : memref<128xf32, #tpu.memory_space<vmem>>) offsets(%dma_start3A_55 : memref<128xi32, #tpu.memory_space<vmem>>) semaphore(%arg17 : memref<!tpu.dma_semaphore, #tpu.memory_space<semaphore_mem>>)
    %dma_start3A_58 = arith.constant 768 : i32
    %dma_start3A_59 = tpu.memref_slice %arg8[%dma_start3A_58] : memref<896xi32, #tpu.memory_space<vmem>> -> memref<128xi32, #tpu.memory_space<vmem>>
    %dma_start3A_60 = arith.constant 0 : i32
    %dma_start3A_61 = tpu.memref_slice %arg3[%dma_start3A_60] : memref<1572864xf32, #tpu.memory_space<hbm>> -> memref<1572864xf32, #tpu.memory_space<hbm>>
    tpu.enqueue_indirect_dma source(%dma_start3A_61 : memref<1572864xf32, #tpu.memory_space<hbm>>) target(%arg12 : memref<128xf32, #tpu.memory_space<vmem>>) offsets(%dma_start3A_59 : memref<128xi32, #tpu.memory_space<vmem>>) semaphore(%arg17 : memref<!tpu.dma_semaphore, #tpu.memory_space<semaphore_mem>>)
    %dma_wait3A_62 = arith.constant 0 : i32
    %dma_wait3A_63 = tpu.memref_slice %arg5[%arg1, %dma_wait3A_62] : memref<16x128xi32, #tpu.memory_space<hbm>> -> memref<1x128xi32, #tpu.memory_space<hbm>>
    %dma_wait3A_64 = tpu.memref_squeeze %dma_wait3A_63 : memref<1x128xi32, #tpu.memory_space<hbm>> -> memref<128xi32, #tpu.memory_space<hbm>>
    %dma_wait3A_65 = arith.constant 0 : i32
    %dma_wait3A_66 = tpu.memref_slice %arg5[%arg1, %dma_wait3A_65] : memref<16x128xi32, #tpu.memory_space<hbm>> -> memref<1x128xi32, #tpu.memory_space<hbm>>
    %dma_wait3A_67 = tpu.memref_squeeze %dma_wait3A_66 : memref<1x128xi32, #tpu.memory_space<hbm>> -> memref<128xi32, #tpu.memory_space<hbm>>
    tpu.wait_dma2 semaphore(%arg18 : memref<!tpu.dma_semaphore, #tpu.memory_space<semaphore_mem>>) src(%dma_wait3A_67 : memref<128xi32, #tpu.memory_space<hbm>>) dst(%arg9 : memref<128xi32, #tpu.memory_space<vmem>>)
    %dma_wait3A_68 = arith.constant 0 : i32
    %dma_wait3A_69 = tpu.memref_slice %arg6[%arg1, %dma_wait3A_68] : memref<16x256xf32, #tpu.memory_space<hbm>> -> memref<1x256xf32, #tpu.memory_space<hbm>>
    %dma_wait3A_70 = tpu.memref_squeeze %dma_wait3A_69 : memref<1x256xf32, #tpu.memory_space<hbm>> -> memref<256xf32, #tpu.memory_space<hbm>>
    %dma_wait3A_71 = arith.constant 0 : i32
    %dma_wait3A_72 = tpu.memref_slice %arg6[%arg1, %dma_wait3A_71] : memref<16x256xf32, #tpu.memory_space<hbm>> -> memref<1x256xf32, #tpu.memory_space<hbm>>
    %dma_wait3A_73 = tpu.memref_squeeze %dma_wait3A_72 : memref<1x256xf32, #tpu.memory_space<hbm>> -> memref<256xf32, #tpu.memory_space<hbm>>
    tpu.wait_dma2 semaphore(%arg19 : memref<!tpu.dma_semaphore, #tpu.memory_space<semaphore_mem>>) src(%dma_wait3A_73 : memref<256xf32, #tpu.memory_space<hbm>>) dst(%arg10 : memref<256xf32, #tpu.memory_space<vmem>>)
    %dma_wait3A_74 = arith.constant 0 : i32
    %dma_wait3A_75 = tpu.memref_slice %arg11[%dma_wait3A_74] : memref<768xf32, #tpu.memory_space<vmem>> -> memref<128xf32, #tpu.memory_space<vmem>>
    %dma_wait3A_76 = arith.constant 0 : i32
    %dma_wait3A_77 = tpu.memref_slice %arg8[%dma_wait3A_76] : memref<896xi32, #tpu.memory_space<vmem>> -> memref<128xi32, #tpu.memory_space<vmem>>
    %dma_wait3A_78 = arith.constant 0 : i32
    %dma_wait3A_79 = tpu.memref_slice %arg2[%dma_wait3A_78] : memref<1572864xf32, #tpu.memory_space<hbm>> -> memref<1572864xf32, #tpu.memory_space<hbm>>
    tpu.wait_indirect_dma semaphore(%arg17 : memref<!tpu.dma_semaphore, #tpu.memory_space<semaphore_mem>>) src(%dma_wait3A_79 : memref<1572864xf32, #tpu.memory_space<hbm>>) dst(%dma_wait3A_75 : memref<128xf32, #tpu.memory_space<vmem>>)
    %dma_wait3A_80 = arith.constant 128 : i32
    %dma_wait3A_81 = tpu.memref_slice %arg11[%dma_wait3A_80] : memref<768xf32, #tpu.memory_space<vmem>> -> memref<128xf32, #tpu.memory_space<vmem>>
    %dma_wait3A_82 = arith.constant 128 : i32
    %dma_wait3A_83 = tpu.memref_slice %arg8[%dma_wait3A_82] : memref<896xi32, #tpu.memory_space<vmem>> -> memref<128xi32, #tpu.memory_space<vmem>>
    %dma_wait3A_84 = arith.constant 0 : i32
    %dma_wait3A_85 = tpu.memref_slice %arg2[%dma_wait3A_84] : memref<1572864xf32, #tpu.memory_space<hbm>> -> memref<1572864xf32, #tpu.memory_space<hbm>>
    tpu.wait_indirect_dma semaphore(%arg17 : memref<!tpu.dma_semaphore, #tpu.memory_space<semaphore_mem>>) src(%dma_wait3A_85 : memref<1572864xf32, #tpu.memory_space<hbm>>) dst(%dma_wait3A_81 : memref<128xf32, #tpu.memory_space<vmem>>)
    %dma_wait3A_86 = arith.constant 256 : i32
    %dma_wait3A_87 = tpu.memref_slice %arg11[%dma_wait3A_86] : memref<768xf32, #tpu.memory_space<vmem>> -> memref<128xf32, #tpu.memory_space<vmem>>
    %dma_wait3A_88 = arith.constant 256 : i32
    %dma_wait3A_89 = tpu.memref_slice %arg8[%dma_wait3A_88] : memref<896xi32, #tpu.memory_space<vmem>> -> memref<128xi32, #tpu.memory_space<vmem>>
    %dma_wait3A_90 = arith.constant 0 : i32
    %dma_wait3A_91 = tpu.memref_slice %arg2[%dma_wait3A_90] : memref<1572864xf32, #tpu.memory_space<hbm>> -> memref<1572864xf32, #tpu.memory_space<hbm>>
    tpu.wait_indirect_dma semaphore(%arg17 : memref<!tpu.dma_semaphore, #tpu.memory_space<semaphore_mem>>) src(%dma_wait3A_91 : memref<1572864xf32, #tpu.memory_space<hbm>>) dst(%dma_wait3A_87 : memref<128xf32, #tpu.memory_space<vmem>>)
    %dma_wait3A_92 = arith.constant 384 : i32
    %dma_wait3A_93 = tpu.memref_slice %arg11[%dma_wait3A_92] : memref<768xf32, #tpu.memory_space<vmem>> -> memref<128xf32, #tpu.memory_space<vmem>>
    %dma_wait3A_94 = arith.constant 384 : i32
    %dma_wait3A_95 = tpu.memref_slice %arg8[%dma_wait3A_94] : memref<896xi32, #tpu.memory_space<vmem>> -> memref<128xi32, #tpu.memory_space<vmem>>
    %dma_wait3A_96 = arith.constant 0 : i32
    %dma_wait3A_97 = tpu.memref_slice %arg2[%dma_wait3A_96] : memref<1572864xf32, #tpu.memory_space<hbm>> -> memref<1572864xf32, #tpu.memory_space<hbm>>
    tpu.wait_indirect_dma semaphore(%arg17 : memref<!tpu.dma_semaphore, #tpu.memory_space<semaphore_mem>>) src(%dma_wait3A_97 : memref<1572864xf32, #tpu.memory_space<hbm>>) dst(%dma_wait3A_93 : memref<128xf32, #tpu.memory_space<vmem>>)
    %dma_wait3A_98 = arith.constant 512 : i32
    %dma_wait3A_99 = tpu.memref_slice %arg11[%dma_wait3A_98] : memref<768xf32, #tpu.memory_space<vmem>> -> memref<128xf32, #tpu.memory_space<vmem>>
    %dma_wait3A_100 = arith.constant 512 : i32
    %dma_wait3A_101 = tpu.memref_slice %arg8[%dma_wait3A_100] : memref<896xi32, #tpu.memory_space<vmem>> -> memref<128xi32, #tpu.memory_space<vmem>>
    %dma_wait3A_102 = arith.constant 0 : i32
    %dma_wait3A_103 = tpu.memref_slice %arg2[%dma_wait3A_102] : memref<1572864xf32, #tpu.memory_space<hbm>> -> memref<1572864xf32, #tpu.memory_space<hbm>>
    tpu.wait_indirect_dma semaphore(%arg17 : memref<!tpu.dma_semaphore, #tpu.memory_space<semaphore_mem>>) src(%dma_wait3A_103 : memref<1572864xf32, #tpu.memory_space<hbm>>) dst(%dma_wait3A_99 : memref<128xf32, #tpu.memory_space<vmem>>)
    %dma_wait3A_104 = arith.constant 640 : i32
    %dma_wait3A_105 = tpu.memref_slice %arg11[%dma_wait3A_104] : memref<768xf32, #tpu.memory_space<vmem>> -> memref<128xf32, #tpu.memory_space<vmem>>
    %dma_wait3A_106 = arith.constant 640 : i32
    %dma_wait3A_107 = tpu.memref_slice %arg8[%dma_wait3A_106] : memref<896xi32, #tpu.memory_space<vmem>> -> memref<128xi32, #tpu.memory_space<vmem>>
    %dma_wait3A_108 = arith.constant 0 : i32
    %dma_wait3A_109 = tpu.memref_slice %arg2[%dma_wait3A_108] : memref<1572864xf32, #tpu.memory_space<hbm>> -> memref<1572864xf32, #tpu.memory_space<hbm>>
    tpu.wait_indirect_dma semaphore(%arg17 : memref<!tpu.dma_semaphore, #tpu.memory_space<semaphore_mem>>) src(%dma_wait3A_109 : memref<1572864xf32, #tpu.memory_space<hbm>>) dst(%dma_wait3A_105 : memref<128xf32, #tpu.memory_space<vmem>>)
    %dma_wait3A_110 = arith.constant 768 : i32
    %dma_wait3A_111 = tpu.memref_slice %arg8[%dma_wait3A_110] : memref<896xi32, #tpu.memory_space<vmem>> -> memref<128xi32, #tpu.memory_space<vmem>>
    %dma_wait3A_112 = arith.constant 0 : i32
    %dma_wait3A_113 = tpu.memref_slice %arg3[%dma_wait3A_112] : memref<1572864xf32, #tpu.memory_space<hbm>> -> memref<1572864xf32, #tpu.memory_space<hbm>>
    tpu.wait_indirect_dma semaphore(%arg17 : memref<!tpu.dma_semaphore, #tpu.memory_space<semaphore_mem>>) src(%dma_wait3A_113 : memref<1572864xf32, #tpu.memory_space<hbm>>) dst(%arg12 : memref<128xf32, #tpu.memory_space<vmem>>)
    %get3A = arith.constant 0 : index
    %get3A_114 = tpu.vector_load %arg11[%get3A] {strides = array<i32>} : memref<768xf32, #tpu.memory_space<vmem>>, vector<16xf32>,
    %get3A_115 = arith.constant 128 : index
    %get3A_116 = tpu.vector_load %arg11[%get3A_115] {strides = array<i32>} : memref<768xf32, #tpu.memory_space<vmem>>, vector<16xf32>,
    %get3A_117 = arith.constant 256 : index
    %get3A_118 = tpu.vector_load %arg11[%get3A_117] {strides = array<i32>} : memref<768xf32, #tpu.memory_space<vmem>>, vector<16xf32>,
    %get3A_119 = arith.constant 384 : index
    %get3A_120 = tpu.vector_load %arg11[%get3A_119] {strides = array<i32>} : memref<768xf32, #tpu.memory_space<vmem>>, vector<16xf32>,
    %get3A_121 = arith.constant 512 : index
    %get3A_122 = tpu.vector_load %arg11[%get3A_121] {strides = array<i32>} : memref<768xf32, #tpu.memory_space<vmem>>, vector<16xf32>,
    %get3A_123 = arith.constant 640 : index
    %get3A_124 = tpu.vector_load %arg11[%get3A_123] {strides = array<i32>} : memref<768xf32, #tpu.memory_space<vmem>>, vector<16xf32>,
    %max3A = arith.maximumf %get3A_114, %get3A_116 : vector<16xf32>
    %max3A_125 = arith.maximumf %get3A_118, %get3A_120 : vector<16xf32>
    %max3A_126 = arith.maximumf %get3A_122, %get3A_124 : vector<16xf32>
    %max3A_127 = arith.maximumf %max3A, %max3A_125 : vector<16xf32>
    %max3A_128 = arith.maximumf %max3A_127, %max3A_126 : vector<16xf32>
    %sub3A = arith.subf %get3A_114, %max3A_128 : vector<16xf32>
    %exp3A = math.exp %sub3A : vector<16xf32>
    %sub3A_129 = arith.subf %get3A_116, %max3A_128 : vector<16xf32>
    %exp3A_130 = math.exp %sub3A_129 : vector<16xf32>
    %sub3A_131 = arith.subf %get3A_118, %max3A_128 : vector<16xf32>
    %exp3A_132 = math.exp %sub3A_131 : vector<16xf32>
    %sub3A_133 = arith.subf %get3A_120, %max3A_128 : vector<16xf32>
    %exp3A_134 = math.exp %sub3A_133 : vector<16xf32>
    %sub3A_135 = arith.subf %get3A_122, %max3A_128 : vector<16xf32>
    %exp3A_136 = math.exp %sub3A_135 : vector<16xf32>
    %sub3A_137 = arith.subf %get3A_124, %max3A_128 : vector<16xf32>
    %exp3A_138 = math.exp %sub3A_137 : vector<16xf32>
    %add3A = arith.addf %exp3A, %exp3A_130 : vector<16xf32>
    %add3A_139 = arith.addf %exp3A_132, %exp3A_134 : vector<16xf32>
    %add3A_140 = arith.addf %exp3A_136, %exp3A_138 : vector<16xf32>
    %add3A_141 = arith.addf %add3A, %add3A_139 : vector<16xf32>
    %add3A_142 = arith.addf %add3A_141, %add3A_140 : vector<16xf32>
    %bitcast_convert_type3A = tpu.bitcast %add3A_142 : vector<16xf32> -> vector<16xi32>
    %sub3A_143 = arith.constant 1065353216 : i32
    %sub3A_144 = vector.broadcast %sub3A_143 : i32 to vector<16xi32>
    %sub3A_145 = arith.subi %bitcast_convert_type3A, %sub3A_144 : vector<16xi32>
    %convert_element_type3A = arith.sitofp %sub3A_145 : vector<16xi32> to vector<16xf32>
    %mul3A = arith.constant 8.26295832E-8 : f32
    %mul3A_146 = vector.broadcast %mul3A : f32 to vector<16xf32>
    %mul3A_147 = arith.mulf %convert_element_type3A, %mul3A_146 : vector<16xf32>
    %sub3A_148 = arith.constant 1.000000e+00 : f32
    %sub3A_149 = vector.broadcast %sub3A_148 : f32 to vector<16xf32>
    %sub3A_150 = arith.subf %mul3A_147, %sub3A_149 : vector<16xf32>
    %neg3A = arith.constant 0.000000e+00 : f32
    %neg3A_151 = vector.broadcast %neg3A : f32 to vector<16xf32>
    %neg3A_152 = arith.subf %neg3A_151, %mul3A_147 : vector<16xf32>
    %exp3A_153 = math.exp %neg3A_152 : vector<16xf32>
    %mul3A_154 = arith.mulf %add3A_142, %exp3A_153 : vector<16xf32>
    %add3A_155 = arith.addf %sub3A_150, %mul3A_154 : vector<16xf32>
    %sub3A_156 = arith.constant 1.000000e+00 : f32
    %sub3A_157 = vector.broadcast %sub3A_156 : f32 to vector<16xf32>
    %sub3A_158 = arith.subf %add3A_155, %sub3A_157 : vector<16xf32>
    %neg3A_159 = arith.constant 0.000000e+00 : f32
    %neg3A_160 = vector.broadcast %neg3A_159 : f32 to vector<16xf32>
    %neg3A_161 = arith.subf %neg3A_160, %add3A_155 : vector<16xf32>
    %exp3A_162 = math.exp %neg3A_161 : vector<16xf32>
    %mul3A_163 = arith.mulf %add3A_142, %exp3A_162 : vector<16xf32>
    %add3A_164 = arith.addf %sub3A_158, %mul3A_163 : vector<16xf32>
    %add3A_165 = arith.addf %max3A_128, %add3A_164 : vector<16xf32>
    %get3A_166 = arith.constant 0 : index
    %get3A_167 = tpu.vector_load %arg9[%get3A_166] {strides = array<i32>} : memref<128xi32, #tpu.memory_space<vmem>>, vector<16xi32>,
    %broadcast_in_dim3A = arith.constant 0.000000e+00 : f32
    %broadcast_in_dim3A_168 = vector.broadcast %broadcast_in_dim3A : f32 to vector<16xf32>
    %eq3A = arith.constant 0 : i32
    %eq3A_169 = vector.broadcast %eq3A : i32 to vector<16xi32>
    %eq3A_170 = arith.cmpi eq, %get3A_167, %eq3A_169 : vector<16xi32>
    %select_n3A = arith.select %eq3A_170, %get3A_114, %broadcast_in_dim3A_168 : vector<16xi1>, vector<16xf32>
    %eq3A_171 = arith.constant 1 : i32
    %eq3A_172 = vector.broadcast %eq3A_171 : i32 to vector<16xi32>
    %eq3A_173 = arith.cmpi eq, %get3A_167, %eq3A_172 : vector<16xi32>
    %select_n3A_174 = arith.select %eq3A_173, %get3A_116, %select_n3A : vector<16xi1>, vector<16xf32>
    %eq3A_175 = arith.constant 2 : i32
    %eq3A_176 = vector.broadcast %eq3A_175 : i32 to vector<16xi32>
    %eq3A_177 = arith.cmpi eq, %get3A_167, %eq3A_176 : vector<16xi32>
    %select_n3A_178 = arith.select %eq3A_177, %get3A_118, %select_n3A_174 : vector<16xi1>, vector<16xf32>
    %eq3A_179 = arith.constant 3 : i32
    %eq3A_180 = vector.broadcast %eq3A_179 : i32 to vector<16xi32>
    %eq3A_181 = arith.cmpi eq, %get3A_167, %eq3A_180 : vector<16xi32>
    %select_n3A_182 = arith.select %eq3A_181, %get3A_120, %select_n3A_178 : vector<16xi1>, vector<16xf32>
    %eq3A_183 = arith.constant 4 : i32
    %eq3A_184 = vector.broadcast %eq3A_183 : i32 to vector<16xi32>
    %eq3A_185 = arith.cmpi eq, %get3A_167, %eq3A_184 : vector<16xi32>
    %select_n3A_186 = arith.select %eq3A_185, %get3A_122, %select_n3A_182 : vector<16xi1>, vector<16xf32>
    %eq3A_187 = arith.constant 5 : i32
    %eq3A_188 = vector.broadcast %eq3A_187 : i32 to vector<16xi32>
    %eq3A_189 = arith.cmpi eq, %get3A_167, %eq3A_188 : vector<16xi32>
    %select_n3A_190 = arith.select %eq3A_189, %get3A_124, %select_n3A_186 : vector<16xi1>, vector<16xf32>
    %get3A_191 = arith.constant 128 : index
    %get3A_192 = tpu.vector_load %arg10[%get3A_191] {strides = array<i32>} : memref<256xf32, #tpu.memory_space<vmem>>, vector<16xf32>,
    %sub3A_193 = arith.subf %add3A_165, %select_n3A_190 : vector<16xf32>
    %mul3A_194 = arith.mulf %sub3A_193, %get3A_192 : vector<16xf32>
    %get3A_195 = arith.constant 0 : index
    %get3A_196 = tpu.vector_load %arg12[%get3A_195] {strides = array<i32>} : memref<128xf32, #tpu.memory_space<vmem>>, vector<16xf32>,
    %get3A_197 = arith.constant 0 : index
    %get3A_198 = tpu.vector_load %arg10[%get3A_197] {strides = array<i32>} : memref<256xf32, #tpu.memory_space<vmem>>, vector<16xf32>,
    %sub3A_199 = arith.subf %get3A_196, %get3A_198 : vector<16xf32>
    %abs3A = math.absf %sub3A_199 : vector<16xf32>
    %mul3A_200 = arith.mulf %abs3A, %get3A_192 : vector<16xf32>
    %get3A_201 = arith.constant 16 : index
    %get3A_202 = tpu.vector_load %arg11[%get3A_201] {strides = array<i32>} : memref<768xf32, #tpu.memory_space<vmem>>, vector<16xf32>,
    %get3A_203 = arith.constant 144 : index
    %get3A_204 = tpu.vector_load %arg11[%get3A_203] {strides = array<i32>} : memref<768xf32, #tpu.memory_space<vmem>>, vector<16xf32>,
    %get3A_205 = arith.constant 272 : index
    %get3A_206 = tpu.vector_load %arg11[%get3A_205] {strides = array<i32>} : memref<768xf32, #tpu.memory_space<vmem>>, vector<16xf32>,
    %get3A_207 = arith.constant 400 : index
    %get3A_208 = tpu.vector_load %arg11[%get3A_207] {strides = array<i32>} : memref<768xf32, #tpu.memory_space<vmem>>, vector<16xf32>,
    %get3A_209 = arith.constant 528 : index
    %get3A_210 = tpu.vector_load %arg11[%get3A_209] {strides = array<i32>} : memref<768xf32, #tpu.memory_space<vmem>>, vector<16xf32>,
    %get3A_211 = arith.constant 656 : index
    %get3A_212 = tpu.vector_load %arg11[%get3A_211] {strides = array<i32>} : memref<768xf32, #tpu.memory_space<vmem>>, vector<16xf32>,
    %max3A_213 = arith.maximumf %get3A_202, %get3A_204 : vector<16xf32>
    %max3A_214 = arith.maximumf %get3A_206, %get3A_208 : vector<16xf32>
    %max3A_215 = arith.maximumf %get3A_210, %get3A_212 : vector<16xf32>
    %max3A_216 = arith.maximumf %max3A_213, %max3A_214 : vector<16xf32>
    %max3A_217 = arith.maximumf %max3A_216, %max3A_215 : vector<16xf32>
    %sub3A_218 = arith.subf %get3A_202, %max3A_217 : vector<16xf32>
    %exp3A_219 = math.exp %sub3A_218 : vector<16xf32>
    %sub3A_220 = arith.subf %get3A_204, %max3A_217 : vector<16xf32>
    %exp3A_221 = math.exp %sub3A_220 : vector<16xf32>
    %sub3A_222 = arith.subf %get3A_206, %max3A_217 : vector<16xf32>
    %exp3A_223 = math.exp %sub3A_222 : vector<16xf32>
    %sub3A_224 = arith.subf %get3A_208, %max3A_217 : vector<16xf32>
    %exp3A_225 = math.exp %sub3A_224 : vector<16xf32>
    %sub3A_226 = arith.subf %get3A_210, %max3A_217 : vector<16xf32>
    %exp3A_227 = math.exp %sub3A_226 : vector<16xf32>
    %sub3A_228 = arith.subf %get3A_212, %max3A_217 : vector<16xf32>
    %exp3A_229 = math.exp %sub3A_228 : vector<16xf32>
    %add3A_230 = arith.addf %exp3A_219, %exp3A_221 : vector<16xf32>
    %add3A_231 = arith.addf %exp3A_223, %exp3A_225 : vector<16xf32>
    %add3A_232 = arith.addf %exp3A_227, %exp3A_229 : vector<16xf32>
    %add3A_233 = arith.addf %add3A_230, %add3A_231 : vector<16xf32>
    %add3A_234 = arith.addf %add3A_233, %add3A_232 : vector<16xf32>
    %bitcast_convert_type3A_235 = tpu.bitcast %add3A_234 : vector<16xf32> -> vector<16xi32>
    %sub3A_236 = arith.constant 1065353216 : i32
    %sub3A_237 = vector.broadcast %sub3A_236 : i32 to vector<16xi32>
    %sub3A_238 = arith.subi %bitcast_convert_type3A_235, %sub3A_237 : vector<16xi32>
    %convert_element_type3A_239 = arith.sitofp %sub3A_238 : vector<16xi32> to vector<16xf32>
    %mul3A_240 = arith.constant 8.26295832E-8 : f32
    %mul3A_241 = vector.broadcast %mul3A_240 : f32 to vector<16xf32>
    %mul3A_242 = arith.mulf %convert_element_type3A_239, %mul3A_241 : vector<16xf32>
    %sub3A_243 = arith.constant 1.000000e+00 : f32
    %sub3A_244 = vector.broadcast %sub3A_243 : f32 to vector<16xf32>
    %sub3A_245 = arith.subf %mul3A_242, %sub3A_244 : vector<16xf32>
    %neg3A_246 = arith.constant 0.000000e+00 : f32
    %neg3A_247 = vector.broadcast %neg3A_246 : f32 to vector<16xf32>
    %neg3A_248 = arith.subf %neg3A_247, %mul3A_242 : vector<16xf32>
    %exp3A_249 = math.exp %neg3A_248 : vector<16xf32>
    %mul3A_250 = arith.mulf %add3A_234, %exp3A_249 : vector<16xf32>
    %add3A_251 = arith.addf %sub3A_245, %mul3A_250 : vector<16xf32>
    %sub3A_252 = arith.constant 1.000000e+00 : f32
    %sub3A_253 = vector.broadcast %sub3A_252 : f32 to vector<16xf32>
    %sub3A_254 = arith.subf %add3A_251, %sub3A_253 : vector<16xf32>
    %neg3A_255 = arith.constant 0.000000e+00 : f32
    %neg3A_256 = vector.broadcast %neg3A_255 : f32 to vector<16xf32>
    %neg3A_257 = arith.subf %neg3A_256, %add3A_251 : vector<16xf32>
    %exp3A_258 = math.exp %neg3A_257 : vector<16xf32>
    %mul3A_259 = arith.mulf %add3A_234, %exp3A_258 : vector<16xf32>
    %add3A_260 = arith.addf %sub3A_254, %mul3A_259 : vector<16xf32>
    %add3A_261 = arith.addf %max3A_217, %add3A_260 : vector<16xf32>
    %get3A_262 = arith.constant 16 : index
    %get3A_263 = tpu.vector_load %arg9[%get3A_262] {strides = array<i32>} : memref<128xi32, #tpu.memory_space<vmem>>, vector<16xi32>,
    %broadcast_in_dim3A_264 = arith.constant 0.000000e+00 : f32
    %broadcast_in_dim3A_265 = vector.broadcast %broadcast_in_dim3A_264 : f32 to vector<16xf32>
    %eq3A_266 = arith.constant 0 : i32
    %eq3A_267 = vector.broadcast %eq3A_266 : i32 to vector<16xi32>
    %eq3A_268 = arith.cmpi eq, %get3A_263, %eq3A_267 : vector<16xi32>
    %select_n3A_269 = arith.select %eq3A_268, %get3A_202, %broadcast_in_dim3A_265 : vector<16xi1>, vector<16xf32>
    %eq3A_270 = arith.constant 1 : i32
    %eq3A_271 = vector.broadcast %eq3A_270 : i32 to vector<16xi32>
    %eq3A_272 = arith.cmpi eq, %get3A_263, %eq3A_271 : vector<16xi32>
    %select_n3A_273 = arith.select %eq3A_272, %get3A_204, %select_n3A_269 : vector<16xi1>, vector<16xf32>
    %eq3A_274 = arith.constant 2 : i32
    %eq3A_275 = vector.broadcast %eq3A_274 : i32 to vector<16xi32>
    %eq3A_276 = arith.cmpi eq, %get3A_263, %eq3A_275 : vector<16xi32>
    %select_n3A_277 = arith.select %eq3A_276, %get3A_206, %select_n3A_273 : vector<16xi1>, vector<16xf32>
    %eq3A_278 = arith.constant 3 : i32
    %eq3A_279 = vector.broadcast %eq3A_278 : i32 to vector<16xi32>
    %eq3A_280 = arith.cmpi eq, %get3A_263, %eq3A_279 : vector<16xi32>
    %select_n3A_281 = arith.select %eq3A_280, %get3A_208, %select_n3A_277 : vector<16xi1>, vector<16xf32>
    %eq3A_282 = arith.constant 4 : i32
    %eq3A_283 = vector.broadcast %eq3A_282 : i32 to vector<16xi32>
    %eq3A_284 = arith.cmpi eq, %get3A_263, %eq3A_283 : vector<16xi32>
    %select_n3A_285 = arith.select %eq3A_284, %get3A_210, %select_n3A_281 : vector<16xi1>, vector<16xf32>
    %eq3A_286 = arith.constant 5 : i32
    %eq3A_287 = vector.broadcast %eq3A_286 : i32 to vector<16xi32>
    %eq3A_288 = arith.cmpi eq, %get3A_263, %eq3A_287 : vector<16xi32>
    %select_n3A_289 = arith.select %eq3A_288, %get3A_212, %select_n3A_285 : vector<16xi1>, vector<16xf32>
    %get3A_290 = arith.constant 144 : index
    %get3A_291 = tpu.vector_load %arg10[%get3A_290] {strides = array<i32>} : memref<256xf32, #tpu.memory_space<vmem>>, vector<16xf32>,
    %sub3A_292 = arith.subf %add3A_261, %select_n3A_289 : vector<16xf32>
    %mul3A_293 = arith.mulf %sub3A_292, %get3A_291 : vector<16xf32>
    %get3A_294 = arith.constant 16 : index
    %get3A_295 = tpu.vector_load %arg12[%get3A_294] {strides = array<i32>} : memref<128xf32, #tpu.memory_space<vmem>>, vector<16xf32>,
    %get3A_296 = arith.constant 16 : index
    %get3A_297 = tpu.vector_load %arg10[%get3A_296] {strides = array<i32>} : memref<256xf32, #tpu.memory_space<vmem>>, vector<16xf32>,
    %sub3A_298 = arith.subf %get3A_295, %get3A_297 : vector<16xf32>
    %abs3A_299 = math.absf %sub3A_298 : vector<16xf32>
    %mul3A_300 = arith.mulf %abs3A_299, %get3A_291 : vector<16xf32>
    %get3A_301 = arith.constant 32 : index
    %get3A_302 = tpu.vector_load %arg11[%get3A_301] {strides = array<i32>} : memref<768xf32, #tpu.memory_space<vmem>>, vector<16xf32>,
    %get3A_303 = arith.constant 160 : index
    %get3A_304 = tpu.vector_load %arg11[%get3A_303] {strides = array<i32>} : memref<768xf32, #tpu.memory_space<vmem>>, vector<16xf32>,
    %get3A_305 = arith.constant 288 : index
    %get3A_306 = tpu.vector_load %arg11[%get3A_305] {strides = array<i32>} : memref<768xf32, #tpu.memory_space<vmem>>, vector<16xf32>,
    %get3A_307 = arith.constant 416 : index
    %get3A_308 = tpu.vector_load %arg11[%get3A_307] {strides = array<i32>} : memref<768xf32, #tpu.memory_space<vmem>>, vector<16xf32>,
    %get3A_309 = arith.constant 544 : index
    %get3A_310 = tpu.vector_load %arg11[%get3A_309] {strides = array<i32>} : memref<768xf32, #tpu.memory_space<vmem>>, vector<16xf32>,
    %get3A_311 = arith.constant 672 : index
    %get3A_312 = tpu.vector_load %arg11[%get3A_311] {strides = array<i32>} : memref<768xf32, #tpu.memory_space<vmem>>, vector<16xf32>,
    %max3A_313 = arith.maximumf %get3A_302, %get3A_304 : vector<16xf32>
    %max3A_314 = arith.maximumf %get3A_306, %get3A_308 : vector<16xf32>
    %max3A_315 = arith.maximumf %get3A_310, %get3A_312 : vector<16xf32>
    %max3A_316 = arith.maximumf %max3A_313, %max3A_314 : vector<16xf32>
    %max3A_317 = arith.maximumf %max3A_316, %max3A_315 : vector<16xf32>
    %sub3A_318 = arith.subf %get3A_302, %max3A_317 : vector<16xf32>
    %exp3A_319 = math.exp %sub3A_318 : vector<16xf32>
    %sub3A_320 = arith.subf %get3A_304, %max3A_317 : vector<16xf32>
    %exp3A_321 = math.exp %sub3A_320 : vector<16xf32>
    %sub3A_322 = arith.subf %get3A_306, %max3A_317 : vector<16xf32>
    %exp3A_323 = math.exp %sub3A_322 : vector<16xf32>
    %sub3A_324 = arith.subf %get3A_308, %max3A_317 : vector<16xf32>
    %exp3A_325 = math.exp %sub3A_324 : vector<16xf32>
    %sub3A_326 = arith.subf %get3A_310, %max3A_317 : vector<16xf32>
    %exp3A_327 = math.exp %sub3A_326 : vector<16xf32>
    %sub3A_328 = arith.subf %get3A_312, %max3A_317 : vector<16xf32>
    %exp3A_329 = math.exp %sub3A_328 : vector<16xf32>
    %add3A_330 = arith.addf %exp3A_319, %exp3A_321 : vector<16xf32>
    %add3A_331 = arith.addf %exp3A_323, %exp3A_325 : vector<16xf32>
    %add3A_332 = arith.addf %exp3A_327, %exp3A_329 : vector<16xf32>
    %add3A_333 = arith.addf %add3A_330, %add3A_331 : vector<16xf32>
    %add3A_334 = arith.addf %add3A_333, %add3A_332 : vector<16xf32>
    %bitcast_convert_type3A_335 = tpu.bitcast %add3A_334 : vector<16xf32> -> vector<16xi32>
    %sub3A_336 = arith.constant 1065353216 : i32
    %sub3A_337 = vector.broadcast %sub3A_336 : i32 to vector<16xi32>
    %sub3A_338 = arith.subi %bitcast_convert_type3A_335, %sub3A_337 : vector<16xi32>
    %convert_element_type3A_339 = arith.sitofp %sub3A_338 : vector<16xi32> to vector<16xf32>
    %mul3A_340 = arith.constant 8.26295832E-8 : f32
    %mul3A_341 = vector.broadcast %mul3A_340 : f32 to vector<16xf32>
    %mul3A_342 = arith.mulf %convert_element_type3A_339, %mul3A_341 : vector<16xf32>
    %sub3A_343 = arith.constant 1.000000e+00 : f32
    %sub3A_344 = vector.broadcast %sub3A_343 : f32 to vector<16xf32>
    %sub3A_345 = arith.subf %mul3A_342, %sub3A_344 : vector<16xf32>
    %neg3A_346 = arith.constant 0.000000e+00 : f32
    %neg3A_347 = vector.broadcast %neg3A_346 : f32 to vector<16xf32>
    %neg3A_348 = arith.subf %neg3A_347, %mul3A_342 : vector<16xf32>
    %exp3A_349 = math.exp %neg3A_348 : vector<16xf32>
    %mul3A_350 = arith.mulf %add3A_334, %exp3A_349 : vector<16xf32>
    %add3A_351 = arith.addf %sub3A_345, %mul3A_350 : vector<16xf32>
    %sub3A_352 = arith.constant 1.000000e+00 : f32
    %sub3A_353 = vector.broadcast %sub3A_352 : f32 to vector<16xf32>
    %sub3A_354 = arith.subf %add3A_351, %sub3A_353 : vector<16xf32>
    %neg3A_355 = arith.constant 0.000000e+00 : f32
    %neg3A_356 = vector.broadcast %neg3A_355 : f32 to vector<16xf32>
    %neg3A_357 = arith.subf %neg3A_356, %add3A_351 : vector<16xf32>
    %exp3A_358 = math.exp %neg3A_357 : vector<16xf32>
    %mul3A_359 = arith.mulf %add3A_334, %exp3A_358 : vector<16xf32>
    %add3A_360 = arith.addf %sub3A_354, %mul3A_359 : vector<16xf32>
    %add3A_361 = arith.addf %max3A_317, %add3A_360 : vector<16xf32>
    %get3A_362 = arith.constant 32 : index
    %get3A_363 = tpu.vector_load %arg9[%get3A_362] {strides = array<i32>} : memref<128xi32, #tpu.memory_space<vmem>>, vector<16xi32>,
    %broadcast_in_dim3A_364 = arith.constant 0.000000e+00 : f32
    %broadcast_in_dim3A_365 = vector.broadcast %broadcast_in_dim3A_364 : f32 to vector<16xf32>
    %eq3A_366 = arith.constant 0 : i32
    %eq3A_367 = vector.broadcast %eq3A_366 : i32 to vector<16xi32>
    %eq3A_368 = arith.cmpi eq, %get3A_363, %eq3A_367 : vector<16xi32>
    %select_n3A_369 = arith.select %eq3A_368, %get3A_302, %broadcast_in_dim3A_365 : vector<16xi1>, vector<16xf32>
    %eq3A_370 = arith.constant 1 : i32
    %eq3A_371 = vector.broadcast %eq3A_370 : i32 to vector<16xi32>
    %eq3A_372 = arith.cmpi eq, %get3A_363, %eq3A_371 : vector<16xi32>
    %select_n3A_373 = arith.select %eq3A_372, %get3A_304, %select_n3A_369 : vector<16xi1>, vector<16xf32>
    %eq3A_374 = arith.constant 2 : i32
    %eq3A_375 = vector.broadcast %eq3A_374 : i32 to vector<16xi32>
    %eq3A_376 = arith.cmpi eq, %get3A_363, %eq3A_375 : vector<16xi32>
    %select_n3A_377 = arith.select %eq3A_376, %get3A_306, %select_n3A_373 : vector<16xi1>, vector<16xf32>
    %eq3A_378 = arith.constant 3 : i32
    %eq3A_379 = vector.broadcast %eq3A_378 : i32 to vector<16xi32>
    %eq3A_380 = arith.cmpi eq, %get3A_363, %eq3A_379 : vector<16xi32>
    %select_n3A_381 = arith.select %eq3A_380, %get3A_308, %select_n3A_377 : vector<16xi1>, vector<16xf32>
    %eq3A_382 = arith.constant 4 : i32
    %eq3A_383 = vector.broadcast %eq3A_382 : i32 to vector<16xi32>
    %eq3A_384 = arith.cmpi eq, %get3A_363, %eq3A_383 : vector<16xi32>
    %select_n3A_385 = arith.select %eq3A_384, %get3A_310, %select_n3A_381 : vector<16xi1>, vector<16xf32>
    %eq3A_386 = arith.constant 5 : i32
    %eq3A_387 = vector.broadcast %eq3A_386 : i32 to vector<16xi32>
    %eq3A_388 = arith.cmpi eq, %get3A_363, %eq3A_387 : vector<16xi32>
    %select_n3A_389 = arith.select %eq3A_388, %get3A_312, %select_n3A_385 : vector<16xi1>, vector<16xf32>
    %get3A_390 = arith.constant 160 : index
    %get3A_391 = tpu.vector_load %arg10[%get3A_390] {strides = array<i32>} : memref<256xf32, #tpu.memory_space<vmem>>, vector<16xf32>,
    %sub3A_392 = arith.subf %add3A_361, %select_n3A_389 : vector<16xf32>
    %mul3A_393 = arith.mulf %sub3A_392, %get3A_391 : vector<16xf32>
    %get3A_394 = arith.constant 32 : index
    %get3A_395 = tpu.vector_load %arg12[%get3A_394] {strides = array<i32>} : memref<128xf32, #tpu.memory_space<vmem>>, vector<16xf32>,
    %get3A_396 = arith.constant 32 : index
    %get3A_397 = tpu.vector_load %arg10[%get3A_396] {strides = array<i32>} : memref<256xf32, #tpu.memory_space<vmem>>, vector<16xf32>,
    %sub3A_398 = arith.subf %get3A_395, %get3A_397 : vector<16xf32>
    %abs3A_399 = math.absf %sub3A_398 : vector<16xf32>
    %mul3A_400 = arith.mulf %abs3A_399, %get3A_391 : vector<16xf32>
    %get3A_401 = arith.constant 48 : index
    %get3A_402 = tpu.vector_load %arg11[%get3A_401] {strides = array<i32>} : memref<768xf32, #tpu.memory_space<vmem>>, vector<16xf32>,
    %get3A_403 = arith.constant 176 : index
    %get3A_404 = tpu.vector_load %arg11[%get3A_403] {strides = array<i32>} : memref<768xf32, #tpu.memory_space<vmem>>, vector<16xf32>,
    %get3A_405 = arith.constant 304 : index
    %get3A_406 = tpu.vector_load %arg11[%get3A_405] {strides = array<i32>} : memref<768xf32, #tpu.memory_space<vmem>>, vector<16xf32>,
    %get3A_407 = arith.constant 432 : index
    %get3A_408 = tpu.vector_load %arg11[%get3A_407] {strides = array<i32>} : memref<768xf32, #tpu.memory_space<vmem>>, vector<16xf32>,
    %get3A_409 = arith.constant 560 : index
    %get3A_410 = tpu.vector_load %arg11[%get3A_409] {strides = array<i32>} : memref<768xf32, #tpu.memory_space<vmem>>, vector<16xf32>,
    %get3A_411 = arith.constant 688 : index
    %get3A_412 = tpu.vector_load %arg11[%get3A_411] {strides = array<i32>} : memref<768xf32, #tpu.memory_space<vmem>>, vector<16xf32>,
    %max3A_413 = arith.maximumf %get3A_402, %get3A_404 : vector<16xf32>
    %max3A_414 = arith.maximumf %get3A_406, %get3A_408 : vector<16xf32>
    %max3A_415 = arith.maximumf %get3A_410, %get3A_412 : vector<16xf32>
    %max3A_416 = arith.maximumf %max3A_413, %max3A_414 : vector<16xf32>
    %max3A_417 = arith.maximumf %max3A_416, %max3A_415 : vector<16xf32>
    %sub3A_418 = arith.subf %get3A_402, %max3A_417 : vector<16xf32>
    %exp3A_419 = math.exp %sub3A_418 : vector<16xf32>
    %sub3A_420 = arith.subf %get3A_404, %max3A_417 : vector<16xf32>
    %exp3A_421 = math.exp %sub3A_420 : vector<16xf32>
    %sub3A_422 = arith.subf %get3A_406, %max3A_417 : vector<16xf32>
    %exp3A_423 = math.exp %sub3A_422 : vector<16xf32>
    %sub3A_424 = arith.subf %get3A_408, %max3A_417 : vector<16xf32>
    %exp3A_425 = math.exp %sub3A_424 : vector<16xf32>
    %sub3A_426 = arith.subf %get3A_410, %max3A_417 : vector<16xf32>
    %exp3A_427 = math.exp %sub3A_426 : vector<16xf32>
    %sub3A_428 = arith.subf %get3A_412, %max3A_417 : vector<16xf32>
    %exp3A_429 = math.exp %sub3A_428 : vector<16xf32>
    %add3A_430 = arith.addf %exp3A_419, %exp3A_421 : vector<16xf32>
    %add3A_431 = arith.addf %exp3A_423, %exp3A_425 : vector<16xf32>
    %add3A_432 = arith.addf %exp3A_427, %exp3A_429 : vector<16xf32>
    %add3A_433 = arith.addf %add3A_430, %add3A_431 : vector<16xf32>
    %add3A_434 = arith.addf %add3A_433, %add3A_432 : vector<16xf32>
    %bitcast_convert_type3A_435 = tpu.bitcast %add3A_434 : vector<16xf32> -> vector<16xi32>
    %sub3A_436 = arith.constant 1065353216 : i32
    %sub3A_437 = vector.broadcast %sub3A_436 : i32 to vector<16xi32>
    %sub3A_438 = arith.subi %bitcast_convert_type3A_435, %sub3A_437 : vector<16xi32>
    %convert_element_type3A_439 = arith.sitofp %sub3A_438 : vector<16xi32> to vector<16xf32>
    %mul3A_440 = arith.constant 8.26295832E-8 : f32
    %mul3A_441 = vector.broadcast %mul3A_440 : f32 to vector<16xf32>
    %mul3A_442 = arith.mulf %convert_element_type3A_439, %mul3A_441 : vector<16xf32>
    %sub3A_443 = arith.constant 1.000000e+00 : f32
    %sub3A_444 = vector.broadcast %sub3A_443 : f32 to vector<16xf32>
    %sub3A_445 = arith.subf %mul3A_442, %sub3A_444 : vector<16xf32>
    %neg3A_446 = arith.constant 0.000000e+00 : f32
    %neg3A_447 = vector.broadcast %neg3A_446 : f32 to vector<16xf32>
    %neg3A_448 = arith.subf %neg3A_447, %mul3A_442 : vector<16xf32>
    %exp3A_449 = math.exp %neg3A_448 : vector<16xf32>
    %mul3A_450 = arith.mulf %add3A_434, %exp3A_449 : vector<16xf32>
    %add3A_451 = arith.addf %sub3A_445, %mul3A_450 : vector<16xf32>
    %sub3A_452 = arith.constant 1.000000e+00 : f32
    %sub3A_453 = vector.broadcast %sub3A_452 : f32 to vector<16xf32>
    %sub3A_454 = arith.subf %add3A_451, %sub3A_453 : vector<16xf32>
    %neg3A_455 = arith.constant 0.000000e+00 : f32
    %neg3A_456 = vector.broadcast %neg3A_455 : f32 to vector<16xf32>
    %neg3A_457 = arith.subf %neg3A_456, %add3A_451 : vector<16xf32>
    %exp3A_458 = math.exp %neg3A_457 : vector<16xf32>
    %mul3A_459 = arith.mulf %add3A_434, %exp3A_458 : vector<16xf32>
    %add3A_460 = arith.addf %sub3A_454, %mul3A_459 : vector<16xf32>
    %add3A_461 = arith.addf %max3A_417, %add3A_460 : vector<16xf32>
    %get3A_462 = arith.constant 48 : index
    %get3A_463 = tpu.vector_load %arg9[%get3A_462] {strides = array<i32>} : memref<128xi32, #tpu.memory_space<vmem>>, vector<16xi32>,
    %broadcast_in_dim3A_464 = arith.constant 0.000000e+00 : f32
    %broadcast_in_dim3A_465 = vector.broadcast %broadcast_in_dim3A_464 : f32 to vector<16xf32>
    %eq3A_466 = arith.constant 0 : i32
    %eq3A_467 = vector.broadcast %eq3A_466 : i32 to vector<16xi32>
    %eq3A_468 = arith.cmpi eq, %get3A_463, %eq3A_467 : vector<16xi32>
    %select_n3A_469 = arith.select %eq3A_468, %get3A_402, %broadcast_in_dim3A_465 : vector<16xi1>, vector<16xf32>
    %eq3A_470 = arith.constant 1 : i32
    %eq3A_471 = vector.broadcast %eq3A_470 : i32 to vector<16xi32>
    %eq3A_472 = arith.cmpi eq, %get3A_463, %eq3A_471 : vector<16xi32>
    %select_n3A_473 = arith.select %eq3A_472, %get3A_404, %select_n3A_469 : vector<16xi1>, vector<16xf32>
    %eq3A_474 = arith.constant 2 : i32
    %eq3A_475 = vector.broadcast %eq3A_474 : i32 to vector<16xi32>
    %eq3A_476 = arith.cmpi eq, %get3A_463, %eq3A_475 : vector<16xi32>
    %select_n3A_477 = arith.select %eq3A_476, %get3A_406, %select_n3A_473 : vector<16xi1>, vector<16xf32>
    %eq3A_478 = arith.constant 3 : i32
    %eq3A_479 = vector.broadcast %eq3A_478 : i32 to vector<16xi32>
    %eq3A_480 = arith.cmpi eq, %get3A_463, %eq3A_479 : vector<16xi32>
    %select_n3A_481 = arith.select %eq3A_480, %get3A_408, %select_n3A_477 : vector<16xi1>, vector<16xf32>
    %eq3A_482 = arith.constant 4 : i32
    %eq3A_483 = vector.broadcast %eq3A_482 : i32 to vector<16xi32>
    %eq3A_484 = arith.cmpi eq, %get3A_463, %eq3A_483 : vector<16xi32>
    %select_n3A_485 = arith.select %eq3A_484, %get3A_410, %select_n3A_481 : vector<16xi1>, vector<16xf32>
    %eq3A_486 = arith.constant 5 : i32
    %eq3A_487 = vector.broadcast %eq3A_486 : i32 to vector<16xi32>
    %eq3A_488 = arith.cmpi eq, %get3A_463, %eq3A_487 : vector<16xi32>
    %select_n3A_489 = arith.select %eq3A_488, %get3A_412, %select_n3A_485 : vector<16xi1>, vector<16xf32>
    %get3A_490 = arith.constant 176 : index
    %get3A_491 = tpu.vector_load %arg10[%get3A_490] {strides = array<i32>} : memref<256xf32, #tpu.memory_space<vmem>>, vector<16xf32>,
    %sub3A_492 = arith.subf %add3A_461, %select_n3A_489 : vector<16xf32>
    %mul3A_493 = arith.mulf %sub3A_492, %get3A_491 : vector<16xf32>
    %get3A_494 = arith.constant 48 : index
    %get3A_495 = tpu.vector_load %arg12[%get3A_494] {strides = array<i32>} : memref<128xf32, #tpu.memory_space<vmem>>, vector<16xf32>,
    %get3A_496 = arith.constant 48 : index
    %get3A_497 = tpu.vector_load %arg10[%get3A_496] {strides = array<i32>} : memref<256xf32, #tpu.memory_space<vmem>>, vector<16xf32>,
    %sub3A_498 = arith.subf %get3A_495, %get3A_497 : vector<16xf32>
    %abs3A_499 = math.absf %sub3A_498 : vector<16xf32>
    %mul3A_500 = arith.mulf %abs3A_499, %get3A_491 : vector<16xf32>
    %get3A_501 = arith.constant 64 : index
    %get3A_502 = tpu.vector_load %arg11[%get3A_501] {strides = array<i32>} : memref<768xf32, #tpu.memory_space<vmem>>, vector<16xf32>,
    %get3A_503 = arith.constant 192 : index
    %get3A_504 = tpu.vector_load %arg11[%get3A_503] {strides = array<i32>} : memref<768xf32, #tpu.memory_space<vmem>>, vector<16xf32>,
    %get3A_505 = arith.constant 320 : index
    %get3A_506 = tpu.vector_load %arg11[%get3A_505] {strides = array<i32>} : memref<768xf32, #tpu.memory_space<vmem>>, vector<16xf32>,
    %get3A_507 = arith.constant 448 : index
    %get3A_508 = tpu.vector_load %arg11[%get3A_507] {strides = array<i32>} : memref<768xf32, #tpu.memory_space<vmem>>, vector<16xf32>,
    %get3A_509 = arith.constant 576 : index
    %get3A_510 = tpu.vector_load %arg11[%get3A_509] {strides = array<i32>} : memref<768xf32, #tpu.memory_space<vmem>>, vector<16xf32>,
    %get3A_511 = arith.constant 704 : index
    %get3A_512 = tpu.vector_load %arg11[%get3A_511] {strides = array<i32>} : memref<768xf32, #tpu.memory_space<vmem>>, vector<16xf32>,
    %max3A_513 = arith.maximumf %get3A_502, %get3A_504 : vector<16xf32>
    %max3A_514 = arith.maximumf %get3A_506, %get3A_508 : vector<16xf32>
    %max3A_515 = arith.maximumf %get3A_510, %get3A_512 : vector<16xf32>
    %max3A_516 = arith.maximumf %max3A_513, %max3A_514 : vector<16xf32>
    %max3A_517 = arith.maximumf %max3A_516, %max3A_515 : vector<16xf32>
    %sub3A_518 = arith.subf %get3A_502, %max3A_517 : vector<16xf32>
    %exp3A_519 = math.exp %sub3A_518 : vector<16xf32>
    %sub3A_520 = arith.subf %get3A_504, %max3A_517 : vector<16xf32>
    %exp3A_521 = math.exp %sub3A_520 : vector<16xf32>
    %sub3A_522 = arith.subf %get3A_506, %max3A_517 : vector<16xf32>
    %exp3A_523 = math.exp %sub3A_522 : vector<16xf32>
    %sub3A_524 = arith.subf %get3A_508, %max3A_517 : vector<16xf32>
    %exp3A_525 = math.exp %sub3A_524 : vector<16xf32>
    %sub3A_526 = arith.subf %get3A_510, %max3A_517 : vector<16xf32>
    %exp3A_527 = math.exp %sub3A_526 : vector<16xf32>
    %sub3A_528 = arith.subf %get3A_512, %max3A_517 : vector<16xf32>
    %exp3A_529 = math.exp %sub3A_528 : vector<16xf32>
    %add3A_530 = arith.addf %exp3A_519, %exp3A_521 : vector<16xf32>
    %add3A_531 = arith.addf %exp3A_523, %exp3A_525 : vector<16xf32>
    %add3A_532 = arith.addf %exp3A_527, %exp3A_529 : vector<16xf32>
    %add3A_533 = arith.addf %add3A_530, %add3A_531 : vector<16xf32>
    %add3A_534 = arith.addf %add3A_533, %add3A_532 : vector<16xf32>
    %bitcast_convert_type3A_535 = tpu.bitcast %add3A_534 : vector<16xf32> -> vector<16xi32>
    %sub3A_536 = arith.constant 1065353216 : i32
    %sub3A_537 = vector.broadcast %sub3A_536 : i32 to vector<16xi32>
    %sub3A_538 = arith.subi %bitcast_convert_type3A_535, %sub3A_537 : vector<16xi32>
    %convert_element_type3A_539 = arith.sitofp %sub3A_538 : vector<16xi32> to vector<16xf32>
    %mul3A_540 = arith.constant 8.26295832E-8 : f32
    %mul3A_541 = vector.broadcast %mul3A_540 : f32 to vector<16xf32>
    %mul3A_542 = arith.mulf %convert_element_type3A_539, %mul3A_541 : vector<16xf32>
    %sub3A_543 = arith.constant 1.000000e+00 : f32
    %sub3A_544 = vector.broadcast %sub3A_543 : f32 to vector<16xf32>
    %sub3A_545 = arith.subf %mul3A_542, %sub3A_544 : vector<16xf32>
    %neg3A_546 = arith.constant 0.000000e+00 : f32
    %neg3A_547 = vector.broadcast %neg3A_546 : f32 to vector<16xf32>
    %neg3A_548 = arith.subf %neg3A_547, %mul3A_542 : vector<16xf32>
    %exp3A_549 = math.exp %neg3A_548 : vector<16xf32>
    %mul3A_550 = arith.mulf %add3A_534, %exp3A_549 : vector<16xf32>
    %add3A_551 = arith.addf %sub3A_545, %mul3A_550 : vector<16xf32>
    %sub3A_552 = arith.constant 1.000000e+00 : f32
    %sub3A_553 = vector.broadcast %sub3A_552 : f32 to vector<16xf32>
    %sub3A_554 = arith.subf %add3A_551, %sub3A_553 : vector<16xf32>
    %neg3A_555 = arith.constant 0.000000e+00 : f32
    %neg3A_556 = vector.broadcast %neg3A_555 : f32 to vector<16xf32>
    %neg3A_557 = arith.subf %neg3A_556, %add3A_551 : vector<16xf32>
    %exp3A_558 = math.exp %neg3A_557 : vector<16xf32>
    %mul3A_559 = arith.mulf %add3A_534, %exp3A_558 : vector<16xf32>
    %add3A_560 = arith.addf %sub3A_554, %mul3A_559 : vector<16xf32>
    %add3A_561 = arith.addf %max3A_517, %add3A_560 : vector<16xf32>
    %get3A_562 = arith.constant 64 : index
    %get3A_563 = tpu.vector_load %arg9[%get3A_562] {strides = array<i32>} : memref<128xi32, #tpu.memory_space<vmem>>, vector<16xi32>,
    %broadcast_in_dim3A_564 = arith.constant 0.000000e+00 : f32
    %broadcast_in_dim3A_565 = vector.broadcast %broadcast_in_dim3A_564 : f32 to vector<16xf32>
    %eq3A_566 = arith.constant 0 : i32
    %eq3A_567 = vector.broadcast %eq3A_566 : i32 to vector<16xi32>
    %eq3A_568 = arith.cmpi eq, %get3A_563, %eq3A_567 : vector<16xi32>
    %select_n3A_569 = arith.select %eq3A_568, %get3A_502, %broadcast_in_dim3A_565 : vector<16xi1>, vector<16xf32>
    %eq3A_570 = arith.constant 1 : i32
    %eq3A_571 = vector.broadcast %eq3A_570 : i32 to vector<16xi32>
    %eq3A_572 = arith.cmpi eq, %get3A_563, %eq3A_571 : vector<16xi32>
    %select_n3A_573 = arith.select %eq3A_572, %get3A_504, %select_n3A_569 : vector<16xi1>, vector<16xf32>
    %eq3A_574 = arith.constant 2 : i32
    %eq3A_575 = vector.broadcast %eq3A_574 : i32 to vector<16xi32>
    %eq3A_576 = arith.cmpi eq, %get3A_563, %eq3A_575 : vector<16xi32>
    %select_n3A_577 = arith.select %eq3A_576, %get3A_506, %select_n3A_573 : vector<16xi1>, vector<16xf32>
    %eq3A_578 = arith.constant 3 : i32
    %eq3A_579 = vector.broadcast %eq3A_578 : i32 to vector<16xi32>
    %eq3A_580 = arith.cmpi eq, %get3A_563, %eq3A_579 : vector<16xi32>
    %select_n3A_581 = arith.select %eq3A_580, %get3A_508, %select_n3A_577 : vector<16xi1>, vector<16xf32>
    %eq3A_582 = arith.constant 4 : i32
    %eq3A_583 = vector.broadcast %eq3A_582 : i32 to vector<16xi32>
    %eq3A_584 = arith.cmpi eq, %get3A_563, %eq3A_583 : vector<16xi32>
    %select_n3A_585 = arith.select %eq3A_584, %get3A_510, %select_n3A_581 : vector<16xi1>, vector<16xf32>
    %eq3A_586 = arith.constant 5 : i32
    %eq3A_587 = vector.broadcast %eq3A_586 : i32 to vector<16xi32>
    %eq3A_588 = arith.cmpi eq, %get3A_563, %eq3A_587 : vector<16xi32>
    %select_n3A_589 = arith.select %eq3A_588, %get3A_512, %select_n3A_585 : vector<16xi1>, vector<16xf32>
    %get3A_590 = arith.constant 192 : index
    %get3A_591 = tpu.vector_load %arg10[%get3A_590] {strides = array<i32>} : memref<256xf32, #tpu.memory_space<vmem>>, vector<16xf32>,
    %sub3A_592 = arith.subf %add3A_561, %select_n3A_589 : vector<16xf32>
    %mul3A_593 = arith.mulf %sub3A_592, %get3A_591 : vector<16xf32>
    %get3A_594 = arith.constant 64 : index
    %get3A_595 = tpu.vector_load %arg12[%get3A_594] {strides = array<i32>} : memref<128xf32, #tpu.memory_space<vmem>>, vector<16xf32>,
    %get3A_596 = arith.constant 64 : index
    %get3A_597 = tpu.vector_load %arg10[%get3A_596] {strides = array<i32>} : memref<256xf32, #tpu.memory_space<vmem>>, vector<16xf32>,
    %sub3A_598 = arith.subf %get3A_595, %get3A_597 : vector<16xf32>
    %abs3A_599 = math.absf %sub3A_598 : vector<16xf32>
    %mul3A_600 = arith.mulf %abs3A_599, %get3A_591 : vector<16xf32>
    %get3A_601 = arith.constant 80 : index
    %get3A_602 = tpu.vector_load %arg11[%get3A_601] {strides = array<i32>} : memref<768xf32, #tpu.memory_space<vmem>>, vector<16xf32>,
    %get3A_603 = arith.constant 208 : index
    %get3A_604 = tpu.vector_load %arg11[%get3A_603] {strides = array<i32>} : memref<768xf32, #tpu.memory_space<vmem>>, vector<16xf32>,
    %get3A_605 = arith.constant 336 : index
    %get3A_606 = tpu.vector_load %arg11[%get3A_605] {strides = array<i32>} : memref<768xf32, #tpu.memory_space<vmem>>, vector<16xf32>,
    %get3A_607 = arith.constant 464 : index
    %get3A_608 = tpu.vector_load %arg11[%get3A_607] {strides = array<i32>} : memref<768xf32, #tpu.memory_space<vmem>>, vector<16xf32>,
    %get3A_609 = arith.constant 592 : index
    %get3A_610 = tpu.vector_load %arg11[%get3A_609] {strides = array<i32>} : memref<768xf32, #tpu.memory_space<vmem>>, vector<16xf32>,
    %get3A_611 = arith.constant 720 : index
    %get3A_612 = tpu.vector_load %arg11[%get3A_611] {strides = array<i32>} : memref<768xf32, #tpu.memory_space<vmem>>, vector<16xf32>,
    %max3A_613 = arith.maximumf %get3A_602, %get3A_604 : vector<16xf32>
    %max3A_614 = arith.maximumf %get3A_606, %get3A_608 : vector<16xf32>
    %max3A_615 = arith.maximumf %get3A_610, %get3A_612 : vector<16xf32>
    %max3A_616 = arith.maximumf %max3A_613, %max3A_614 : vector<16xf32>
    %max3A_617 = arith.maximumf %max3A_616, %max3A_615 : vector<16xf32>
    %sub3A_618 = arith.subf %get3A_602, %max3A_617 : vector<16xf32>
    %exp3A_619 = math.exp %sub3A_618 : vector<16xf32>
    %sub3A_620 = arith.subf %get3A_604, %max3A_617 : vector<16xf32>
    %exp3A_621 = math.exp %sub3A_620 : vector<16xf32>
    %sub3A_622 = arith.subf %get3A_606, %max3A_617 : vector<16xf32>
    %exp3A_623 = math.exp %sub3A_622 : vector<16xf32>
    %sub3A_624 = arith.subf %get3A_608, %max3A_617 : vector<16xf32>
    %exp3A_625 = math.exp %sub3A_624 : vector<16xf32>
    %sub3A_626 = arith.subf %get3A_610, %max3A_617 : vector<16xf32>
    %exp3A_627 = math.exp %sub3A_626 : vector<16xf32>
    %sub3A_628 = arith.subf %get3A_612, %max3A_617 : vector<16xf32>
    %exp3A_629 = math.exp %sub3A_628 : vector<16xf32>
    %add3A_630 = arith.addf %exp3A_619, %exp3A_621 : vector<16xf32>
    %add3A_631 = arith.addf %exp3A_623, %exp3A_625 : vector<16xf32>
    %add3A_632 = arith.addf %exp3A_627, %exp3A_629 : vector<16xf32>
    %add3A_633 = arith.addf %add3A_630, %add3A_631 : vector<16xf32>
    %add3A_634 = arith.addf %add3A_633, %add3A_632 : vector<16xf32>
    %bitcast_convert_type3A_635 = tpu.bitcast %add3A_634 : vector<16xf32> -> vector<16xi32>
    %sub3A_636 = arith.constant 1065353216 : i32
    %sub3A_637 = vector.broadcast %sub3A_636 : i32 to vector<16xi32>
    %sub3A_638 = arith.subi %bitcast_convert_type3A_635, %sub3A_637 : vector<16xi32>
    %convert_element_type3A_639 = arith.sitofp %sub3A_638 : vector<16xi32> to vector<16xf32>
    %mul3A_640 = arith.constant 8.26295832E-8 : f32
    %mul3A_641 = vector.broadcast %mul3A_640 : f32 to vector<16xf32>
    %mul3A_642 = arith.mulf %convert_element_type3A_639, %mul3A_641 : vector<16xf32>
    %sub3A_643 = arith.constant 1.000000e+00 : f32
    %sub3A_644 = vector.broadcast %sub3A_643 : f32 to vector<16xf32>
    %sub3A_645 = arith.subf %mul3A_642, %sub3A_644 : vector<16xf32>
    %neg3A_646 = arith.constant 0.000000e+00 : f32
    %neg3A_647 = vector.broadcast %neg3A_646 : f32 to vector<16xf32>
    %neg3A_648 = arith.subf %neg3A_647, %mul3A_642 : vector<16xf32>
    %exp3A_649 = math.exp %neg3A_648 : vector<16xf32>
    %mul3A_650 = arith.mulf %add3A_634, %exp3A_649 : vector<16xf32>
    %add3A_651 = arith.addf %sub3A_645, %mul3A_650 : vector<16xf32>
    %sub3A_652 = arith.constant 1.000000e+00 : f32
    %sub3A_653 = vector.broadcast %sub3A_652 : f32 to vector<16xf32>
    %sub3A_654 = arith.subf %add3A_651, %sub3A_653 : vector<16xf32>
    %neg3A_655 = arith.constant 0.000000e+00 : f32
    %neg3A_656 = vector.broadcast %neg3A_655 : f32 to vector<16xf32>
    %neg3A_657 = arith.subf %neg3A_656, %add3A_651 : vector<16xf32>
    %exp3A_658 = math.exp %neg3A_657 : vector<16xf32>
    %mul3A_659 = arith.mulf %add3A_634, %exp3A_658 : vector<16xf32>
    %add3A_660 = arith.addf %sub3A_654, %mul3A_659 : vector<16xf32>
    %add3A_661 = arith.addf %max3A_617, %add3A_660 : vector<16xf32>
    %get3A_662 = arith.constant 80 : index
    %get3A_663 = tpu.vector_load %arg9[%get3A_662] {strides = array<i32>} : memref<128xi32, #tpu.memory_space<vmem>>, vector<16xi32>,
    %broadcast_in_dim3A_664 = arith.constant 0.000000e+00 : f32
    %broadcast_in_dim3A_665 = vector.broadcast %broadcast_in_dim3A_664 : f32 to vector<16xf32>
    %eq3A_666 = arith.constant 0 : i32
    %eq3A_667 = vector.broadcast %eq3A_666 : i32 to vector<16xi32>
    %eq3A_668 = arith.cmpi eq, %get3A_663, %eq3A_667 : vector<16xi32>
    %select_n3A_669 = arith.select %eq3A_668, %get3A_602, %broadcast_in_dim3A_665 : vector<16xi1>, vector<16xf32>
    %eq3A_670 = arith.constant 1 : i32
    %eq3A_671 = vector.broadcast %eq3A_670 : i32 to vector<16xi32>
    %eq3A_672 = arith.cmpi eq, %get3A_663, %eq3A_671 : vector<16xi32>
    %select_n3A_673 = arith.select %eq3A_672, %get3A_604, %select_n3A_669 : vector<16xi1>, vector<16xf32>
    %eq3A_674 = arith.constant 2 : i32
    %eq3A_675 = vector.broadcast %eq3A_674 : i32 to vector<16xi32>
    %eq3A_676 = arith.cmpi eq, %get3A_663, %eq3A_675 : vector<16xi32>
    %select_n3A_677 = arith.select %eq3A_676, %get3A_606, %select_n3A_673 : vector<16xi1>, vector<16xf32>
    %eq3A_678 = arith.constant 3 : i32
    %eq3A_679 = vector.broadcast %eq3A_678 : i32 to vector<16xi32>
    %eq3A_680 = arith.cmpi eq, %get3A_663, %eq3A_679 : vector<16xi32>
    %select_n3A_681 = arith.select %eq3A_680, %get3A_608, %select_n3A_677 : vector<16xi1>, vector<16xf32>
    %eq3A_682 = arith.constant 4 : i32
    %eq3A_683 = vector.broadcast %eq3A_682 : i32 to vector<16xi32>
    %eq3A_684 = arith.cmpi eq, %get3A_663, %eq3A_683 : vector<16xi32>
    %select_n3A_685 = arith.select %eq3A_684, %get3A_610, %select_n3A_681 : vector<16xi1>, vector<16xf32>
    %eq3A_686 = arith.constant 5 : i32
    %eq3A_687 = vector.broadcast %eq3A_686 : i32 to vector<16xi32>
    %eq3A_688 = arith.cmpi eq, %get3A_663, %eq3A_687 : vector<16xi32>
    %select_n3A_689 = arith.select %eq3A_688, %get3A_612, %select_n3A_685 : vector<16xi1>, vector<16xf32>
    %get3A_690 = arith.constant 208 : index
    %get3A_691 = tpu.vector_load %arg10[%get3A_690] {strides = array<i32>} : memref<256xf32, #tpu.memory_space<vmem>>, vector<16xf32>,
    %sub3A_692 = arith.subf %add3A_661, %select_n3A_689 : vector<16xf32>
    %mul3A_693 = arith.mulf %sub3A_692, %get3A_691 : vector<16xf32>
    %get3A_694 = arith.constant 80 : index
    %get3A_695 = tpu.vector_load %arg12[%get3A_694] {strides = array<i32>} : memref<128xf32, #tpu.memory_space<vmem>>, vector<16xf32>,
    %get3A_696 = arith.constant 80 : index
    %get3A_697 = tpu.vector_load %arg10[%get3A_696] {strides = array<i32>} : memref<256xf32, #tpu.memory_space<vmem>>, vector<16xf32>,
    %sub3A_698 = arith.subf %get3A_695, %get3A_697 : vector<16xf32>
    %abs3A_699 = math.absf %sub3A_698 : vector<16xf32>
    %mul3A_700 = arith.mulf %abs3A_699, %get3A_691 : vector<16xf32>
    %get3A_701 = arith.constant 96 : index
    %get3A_702 = tpu.vector_load %arg11[%get3A_701] {strides = array<i32>} : memref<768xf32, #tpu.memory_space<vmem>>, vector<16xf32>,
    %get3A_703 = arith.constant 224 : index
    %get3A_704 = tpu.vector_load %arg11[%get3A_703] {strides = array<i32>} : memref<768xf32, #tpu.memory_space<vmem>>, vector<16xf32>,
    %get3A_705 = arith.constant 352 : index
    %get3A_706 = tpu.vector_load %arg11[%get3A_705] {strides = array<i32>} : memref<768xf32, #tpu.memory_space<vmem>>, vector<16xf32>,
    %get3A_707 = arith.constant 480 : index
    %get3A_708 = tpu.vector_load %arg11[%get3A_707] {strides = array<i32>} : memref<768xf32, #tpu.memory_space<vmem>>, vector<16xf32>,
    %get3A_709 = arith.constant 608 : index
    %get3A_710 = tpu.vector_load %arg11[%get3A_709] {strides = array<i32>} : memref<768xf32, #tpu.memory_space<vmem>>, vector<16xf32>,
    %get3A_711 = arith.constant 736 : index
    %get3A_712 = tpu.vector_load %arg11[%get3A_711] {strides = array<i32>} : memref<768xf32, #tpu.memory_space<vmem>>, vector<16xf32>,
    %max3A_713 = arith.maximumf %get3A_702, %get3A_704 : vector<16xf32>
    %max3A_714 = arith.maximumf %get3A_706, %get3A_708 : vector<16xf32>
    %max3A_715 = arith.maximumf %get3A_710, %get3A_712 : vector<16xf32>
    %max3A_716 = arith.maximumf %max3A_713, %max3A_714 : vector<16xf32>
    %max3A_717 = arith.maximumf %max3A_716, %max3A_715 : vector<16xf32>
    %sub3A_718 = arith.subf %get3A_702, %max3A_717 : vector<16xf32>
    %exp3A_719 = math.exp %sub3A_718 : vector<16xf32>
    %sub3A_720 = arith.subf %get3A_704, %max3A_717 : vector<16xf32>
    %exp3A_721 = math.exp %sub3A_720 : vector<16xf32>
    %sub3A_722 = arith.subf %get3A_706, %max3A_717 : vector<16xf32>
    %exp3A_723 = math.exp %sub3A_722 : vector<16xf32>
    %sub3A_724 = arith.subf %get3A_708, %max3A_717 : vector<16xf32>
    %exp3A_725 = math.exp %sub3A_724 : vector<16xf32>
    %sub3A_726 = arith.subf %get3A_710, %max3A_717 : vector<16xf32>
    %exp3A_727 = math.exp %sub3A_726 : vector<16xf32>
    %sub3A_728 = arith.subf %get3A_712, %max3A_717 : vector<16xf32>
    %exp3A_729 = math.exp %sub3A_728 : vector<16xf32>
    %add3A_730 = arith.addf %exp3A_719, %exp3A_721 : vector<16xf32>
    %add3A_731 = arith.addf %exp3A_723, %exp3A_725 : vector<16xf32>
    %add3A_732 = arith.addf %exp3A_727, %exp3A_729 : vector<16xf32>
    %add3A_733 = arith.addf %add3A_730, %add3A_731 : vector<16xf32>
    %add3A_734 = arith.addf %add3A_733, %add3A_732 : vector<16xf32>
    %bitcast_convert_type3A_735 = tpu.bitcast %add3A_734 : vector<16xf32> -> vector<16xi32>
    %sub3A_736 = arith.constant 1065353216 : i32
    %sub3A_737 = vector.broadcast %sub3A_736 : i32 to vector<16xi32>
    %sub3A_738 = arith.subi %bitcast_convert_type3A_735, %sub3A_737 : vector<16xi32>
    %convert_element_type3A_739 = arith.sitofp %sub3A_738 : vector<16xi32> to vector<16xf32>
    %mul3A_740 = arith.constant 8.26295832E-8 : f32
    %mul3A_741 = vector.broadcast %mul3A_740 : f32 to vector<16xf32>
    %mul3A_742 = arith.mulf %convert_element_type3A_739, %mul3A_741 : vector<16xf32>
    %sub3A_743 = arith.constant 1.000000e+00 : f32
    %sub3A_744 = vector.broadcast %sub3A_743 : f32 to vector<16xf32>
    %sub3A_745 = arith.subf %mul3A_742, %sub3A_744 : vector<16xf32>
    %neg3A_746 = arith.constant 0.000000e+00 : f32
    %neg3A_747 = vector.broadcast %neg3A_746 : f32 to vector<16xf32>
    %neg3A_748 = arith.subf %neg3A_747, %mul3A_742 : vector<16xf32>
    %exp3A_749 = math.exp %neg3A_748 : vector<16xf32>
    %mul3A_750 = arith.mulf %add3A_734, %exp3A_749 : vector<16xf32>
    %add3A_751 = arith.addf %sub3A_745, %mul3A_750 : vector<16xf32>
    %sub3A_752 = arith.constant 1.000000e+00 : f32
    %sub3A_753 = vector.broadcast %sub3A_752 : f32 to vector<16xf32>
    %sub3A_754 = arith.subf %add3A_751, %sub3A_753 : vector<16xf32>
    %neg3A_755 = arith.constant 0.000000e+00 : f32
    %neg3A_756 = vector.broadcast %neg3A_755 : f32 to vector<16xf32>
    %neg3A_757 = arith.subf %neg3A_756, %add3A_751 : vector<16xf32>
    %exp3A_758 = math.exp %neg3A_757 : vector<16xf32>
    %mul3A_759 = arith.mulf %add3A_734, %exp3A_758 : vector<16xf32>
    %add3A_760 = arith.addf %sub3A_754, %mul3A_759 : vector<16xf32>
    %add3A_761 = arith.addf %max3A_717, %add3A_760 : vector<16xf32>
    %get3A_762 = arith.constant 96 : index
    %get3A_763 = tpu.vector_load %arg9[%get3A_762] {strides = array<i32>} : memref<128xi32, #tpu.memory_space<vmem>>, vector<16xi32>,
    %broadcast_in_dim3A_764 = arith.constant 0.000000e+00 : f32
    %broadcast_in_dim3A_765 = vector.broadcast %broadcast_in_dim3A_764 : f32 to vector<16xf32>
    %eq3A_766 = arith.constant 0 : i32
    %eq3A_767 = vector.broadcast %eq3A_766 : i32 to vector<16xi32>
    %eq3A_768 = arith.cmpi eq, %get3A_763, %eq3A_767 : vector<16xi32>
    %select_n3A_769 = arith.select %eq3A_768, %get3A_702, %broadcast_in_dim3A_765 : vector<16xi1>, vector<16xf32>
    %eq3A_770 = arith.constant 1 : i32
    %eq3A_771 = vector.broadcast %eq3A_770 : i32 to vector<16xi32>
    %eq3A_772 = arith.cmpi eq, %get3A_763, %eq3A_771 : vector<16xi32>
    %select_n3A_773 = arith.select %eq3A_772, %get3A_704, %select_n3A_769 : vector<16xi1>, vector<16xf32>
    %eq3A_774 = arith.constant 2 : i32
    %eq3A_775 = vector.broadcast %eq3A_774 : i32 to vector<16xi32>
    %eq3A_776 = arith.cmpi eq, %get3A_763, %eq3A_775 : vector<16xi32>
    %select_n3A_777 = arith.select %eq3A_776, %get3A_706, %select_n3A_773 : vector<16xi1>, vector<16xf32>
    %eq3A_778 = arith.constant 3 : i32
    %eq3A_779 = vector.broadcast %eq3A_778 : i32 to vector<16xi32>
    %eq3A_780 = arith.cmpi eq, %get3A_763, %eq3A_779 : vector<16xi32>
    %select_n3A_781 = arith.select %eq3A_780, %get3A_708, %select_n3A_777 : vector<16xi1>, vector<16xf32>
    %eq3A_782 = arith.constant 4 : i32
    %eq3A_783 = vector.broadcast %eq3A_782 : i32 to vector<16xi32>
    %eq3A_784 = arith.cmpi eq, %get3A_763, %eq3A_783 : vector<16xi32>
    %select_n3A_785 = arith.select %eq3A_784, %get3A_710, %select_n3A_781 : vector<16xi1>, vector<16xf32>
    %eq3A_786 = arith.constant 5 : i32
    %eq3A_787 = vector.broadcast %eq3A_786 : i32 to vector<16xi32>
    %eq3A_788 = arith.cmpi eq, %get3A_763, %eq3A_787 : vector<16xi32>
    %select_n3A_789 = arith.select %eq3A_788, %get3A_712, %select_n3A_785 : vector<16xi1>, vector<16xf32>
    %get3A_790 = arith.constant 224 : index
    %get3A_791 = tpu.vector_load %arg10[%get3A_790] {strides = array<i32>} : memref<256xf32, #tpu.memory_space<vmem>>, vector<16xf32>,
    %sub3A_792 = arith.subf %add3A_761, %select_n3A_789 : vector<16xf32>
    %mul3A_793 = arith.mulf %sub3A_792, %get3A_791 : vector<16xf32>
    %get3A_794 = arith.constant 96 : index
    %get3A_795 = tpu.vector_load %arg12[%get3A_794] {strides = array<i32>} : memref<128xf32, #tpu.memory_space<vmem>>, vector<16xf32>,
    %get3A_796 = arith.constant 96 : index
    %get3A_797 = tpu.vector_load %arg10[%get3A_796] {strides = array<i32>} : memref<256xf32, #tpu.memory_space<vmem>>, vector<16xf32>,
    %sub3A_798 = arith.subf %get3A_795, %get3A_797 : vector<16xf32>
    %abs3A_799 = math.absf %sub3A_798 : vector<16xf32>
    %mul3A_800 = arith.mulf %abs3A_799, %get3A_791 : vector<16xf32>
    %get3A_801 = arith.constant 112 : index
    %get3A_802 = tpu.vector_load %arg11[%get3A_801] {strides = array<i32>} : memref<768xf32, #tpu.memory_space<vmem>>, vector<16xf32>,
    %get3A_803 = arith.constant 240 : index
    %get3A_804 = tpu.vector_load %arg11[%get3A_803] {strides = array<i32>} : memref<768xf32, #tpu.memory_space<vmem>>, vector<16xf32>,
    %get3A_805 = arith.constant 368 : index
    %get3A_806 = tpu.vector_load %arg11[%get3A_805] {strides = array<i32>} : memref<768xf32, #tpu.memory_space<vmem>>, vector<16xf32>,
    %get3A_807 = arith.constant 496 : index
    %get3A_808 = tpu.vector_load %arg11[%get3A_807] {strides = array<i32>} : memref<768xf32, #tpu.memory_space<vmem>>, vector<16xf32>,
    %get3A_809 = arith.constant 624 : index
    %get3A_810 = tpu.vector_load %arg11[%get3A_809] {strides = array<i32>} : memref<768xf32, #tpu.memory_space<vmem>>, vector<16xf32>,
    %get3A_811 = arith.constant 752 : index
    %get3A_812 = tpu.vector_load %arg11[%get3A_811] {strides = array<i32>} : memref<768xf32, #tpu.memory_space<vmem>>, vector<16xf32>,
    %max3A_813 = arith.maximumf %get3A_802, %get3A_804 : vector<16xf32>
    %max3A_814 = arith.maximumf %get3A_806, %get3A_808 : vector<16xf32>
    %max3A_815 = arith.maximumf %get3A_810, %get3A_812 : vector<16xf32>
    %max3A_816 = arith.maximumf %max3A_813, %max3A_814 : vector<16xf32>
    %max3A_817 = arith.maximumf %max3A_816, %max3A_815 : vector<16xf32>
    %sub3A_818 = arith.subf %get3A_802, %max3A_817 : vector<16xf32>
    %exp3A_819 = math.exp %sub3A_818 : vector<16xf32>
    %sub3A_820 = arith.subf %get3A_804, %max3A_817 : vector<16xf32>
    %exp3A_821 = math.exp %sub3A_820 : vector<16xf32>
    %sub3A_822 = arith.subf %get3A_806, %max3A_817 : vector<16xf32>
    %exp3A_823 = math.exp %sub3A_822 : vector<16xf32>
    %sub3A_824 = arith.subf %get3A_808, %max3A_817 : vector<16xf32>
    %exp3A_825 = math.exp %sub3A_824 : vector<16xf32>
    %sub3A_826 = arith.subf %get3A_810, %max3A_817 : vector<16xf32>
    %exp3A_827 = math.exp %sub3A_826 : vector<16xf32>
    %sub3A_828 = arith.subf %get3A_812, %max3A_817 : vector<16xf32>
    %exp3A_829 = math.exp %sub3A_828 : vector<16xf32>
    %add3A_830 = arith.addf %exp3A_819, %exp3A_821 : vector<16xf32>
    %add3A_831 = arith.addf %exp3A_823, %exp3A_825 : vector<16xf32>
    %add3A_832 = arith.addf %exp3A_827, %exp3A_829 : vector<16xf32>
    %add3A_833 = arith.addf %add3A_830, %add3A_831 : vector<16xf32>
    %add3A_834 = arith.addf %add3A_833, %add3A_832 : vector<16xf32>
    %bitcast_convert_type3A_835 = tpu.bitcast %add3A_834 : vector<16xf32> -> vector<16xi32>
    %sub3A_836 = arith.constant 1065353216 : i32
    %sub3A_837 = vector.broadcast %sub3A_836 : i32 to vector<16xi32>
    %sub3A_838 = arith.subi %bitcast_convert_type3A_835, %sub3A_837 : vector<16xi32>
    %convert_element_type3A_839 = arith.sitofp %sub3A_838 : vector<16xi32> to vector<16xf32>
    %mul3A_840 = arith.constant 8.26295832E-8 : f32
    %mul3A_841 = vector.broadcast %mul3A_840 : f32 to vector<16xf32>
    %mul3A_842 = arith.mulf %convert_element_type3A_839, %mul3A_841 : vector<16xf32>
    %sub3A_843 = arith.constant 1.000000e+00 : f32
    %sub3A_844 = vector.broadcast %sub3A_843 : f32 to vector<16xf32>
    %sub3A_845 = arith.subf %mul3A_842, %sub3A_844 : vector<16xf32>
    %neg3A_846 = arith.constant 0.000000e+00 : f32
    %neg3A_847 = vector.broadcast %neg3A_846 : f32 to vector<16xf32>
    %neg3A_848 = arith.subf %neg3A_847, %mul3A_842 : vector<16xf32>
    %exp3A_849 = math.exp %neg3A_848 : vector<16xf32>
    %mul3A_850 = arith.mulf %add3A_834, %exp3A_849 : vector<16xf32>
    %add3A_851 = arith.addf %sub3A_845, %mul3A_850 : vector<16xf32>
    %sub3A_852 = arith.constant 1.000000e+00 : f32
    %sub3A_853 = vector.broadcast %sub3A_852 : f32 to vector<16xf32>
    %sub3A_854 = arith.subf %add3A_851, %sub3A_853 : vector<16xf32>
    %neg3A_855 = arith.constant 0.000000e+00 : f32
    %neg3A_856 = vector.broadcast %neg3A_855 : f32 to vector<16xf32>
    %neg3A_857 = arith.subf %neg3A_856, %add3A_851 : vector<16xf32>
    %exp3A_858 = math.exp %neg3A_857 : vector<16xf32>
    %mul3A_859 = arith.mulf %add3A_834, %exp3A_858 : vector<16xf32>
    %add3A_860 = arith.addf %sub3A_854, %mul3A_859 : vector<16xf32>
    %add3A_861 = arith.addf %max3A_817, %add3A_860 : vector<16xf32>
    %get3A_862 = arith.constant 112 : index
    %get3A_863 = tpu.vector_load %arg9[%get3A_862] {strides = array<i32>} : memref<128xi32, #tpu.memory_space<vmem>>, vector<16xi32>,
    %broadcast_in_dim3A_864 = arith.constant 0.000000e+00 : f32
    %broadcast_in_dim3A_865 = vector.broadcast %broadcast_in_dim3A_864 : f32 to vector<16xf32>
    %eq3A_866 = arith.constant 0 : i32
    %eq3A_867 = vector.broadcast %eq3A_866 : i32 to vector<16xi32>
    %eq3A_868 = arith.cmpi eq, %get3A_863, %eq3A_867 : vector<16xi32>
    %select_n3A_869 = arith.select %eq3A_868, %get3A_802, %broadcast_in_dim3A_865 : vector<16xi1>, vector<16xf32>
    %eq3A_870 = arith.constant 1 : i32
    %eq3A_871 = vector.broadcast %eq3A_870 : i32 to vector<16xi32>
    %eq3A_872 = arith.cmpi eq, %get3A_863, %eq3A_871 : vector<16xi32>
    %select_n3A_873 = arith.select %eq3A_872, %get3A_804, %select_n3A_869 : vector<16xi1>, vector<16xf32>
    %eq3A_874 = arith.constant 2 : i32
    %eq3A_875 = vector.broadcast %eq3A_874 : i32 to vector<16xi32>
    %eq3A_876 = arith.cmpi eq, %get3A_863, %eq3A_875 : vector<16xi32>
    %select_n3A_877 = arith.select %eq3A_876, %get3A_806, %select_n3A_873 : vector<16xi1>, vector<16xf32>
    %eq3A_878 = arith.constant 3 : i32
    %eq3A_879 = vector.broadcast %eq3A_878 : i32 to vector<16xi32>
    %eq3A_880 = arith.cmpi eq, %get3A_863, %eq3A_879 : vector<16xi32>
    %select_n3A_881 = arith.select %eq3A_880, %get3A_808, %select_n3A_877 : vector<16xi1>, vector<16xf32>
    %eq3A_882 = arith.constant 4 : i32
    %eq3A_883 = vector.broadcast %eq3A_882 : i32 to vector<16xi32>
    %eq3A_884 = arith.cmpi eq, %get3A_863, %eq3A_883 : vector<16xi32>
    %select_n3A_885 = arith.select %eq3A_884, %get3A_810, %select_n3A_881 : vector<16xi1>, vector<16xf32>
    %eq3A_886 = arith.constant 5 : i32
    %eq3A_887 = vector.broadcast %eq3A_886 : i32 to vector<16xi32>
    %eq3A_888 = arith.cmpi eq, %get3A_863, %eq3A_887 : vector<16xi32>
    %select_n3A_889 = arith.select %eq3A_888, %get3A_812, %select_n3A_885 : vector<16xi1>, vector<16xf32>
    %get3A_890 = arith.constant 240 : index
    %get3A_891 = tpu.vector_load %arg10[%get3A_890] {strides = array<i32>} : memref<256xf32, #tpu.memory_space<vmem>>, vector<16xf32>,
    %sub3A_892 = arith.subf %add3A_861, %select_n3A_889 : vector<16xf32>
    %mul3A_893 = arith.mulf %sub3A_892, %get3A_891 : vector<16xf32>
    %get3A_894 = arith.constant 112 : index
    %get3A_895 = tpu.vector_load %arg12[%get3A_894] {strides = array<i32>} : memref<128xf32, #tpu.memory_space<vmem>>, vector<16xf32>,
    %get3A_896 = arith.constant 112 : index
    %get3A_897 = tpu.vector_load %arg10[%get3A_896] {strides = array<i32>} : memref<256xf32, #tpu.memory_space<vmem>>, vector<16xf32>,
    %sub3A_898 = arith.subf %get3A_895, %get3A_897 : vector<16xf32>
    %abs3A_899 = math.absf %sub3A_898 : vector<16xf32>
    %mul3A_900 = arith.mulf %abs3A_899, %get3A_891 : vector<16xf32>
    %add3A_901 = arith.addf %mul3A_194, %mul3A_293 : vector<16xf32>
    %add3A_902 = arith.addf %mul3A_393, %mul3A_493 : vector<16xf32>
    %add3A_903 = arith.addf %mul3A_593, %mul3A_693 : vector<16xf32>
    %add3A_904 = arith.addf %mul3A_793, %mul3A_893 : vector<16xf32>
    %add3A_905 = arith.addf %add3A_901, %add3A_902 : vector<16xf32>
    %add3A_906 = arith.addf %add3A_903, %add3A_904 : vector<16xf32>
    %add3A_907 = arith.addf %add3A_905, %add3A_906 : vector<16xf32>
    %swap3A = arith.constant 0 : index
    %swap3A_908 = tpu.vector_load %arg13[%swap3A] {strides = array<i32>} : memref<48xf32, #tpu.memory_space<vmem>>, vector<16xf32>,
    tpu.vector_store %arg13[%swap3A], %add3A_907 {strides = array<i32>} : memref<48xf32, #tpu.memory_space<vmem>>, vector<16xf32>,
    %add3A_909 = arith.addf %mul3A_200, %mul3A_300 : vector<16xf32>
    %add3A_910 = arith.addf %mul3A_400, %mul3A_500 : vector<16xf32>
    %add3A_911 = arith.addf %mul3A_600, %mul3A_700 : vector<16xf32>
    %add3A_912 = arith.addf %mul3A_800, %mul3A_900 : vector<16xf32>
    %add3A_913 = arith.addf %add3A_909, %add3A_910 : vector<16xf32>
    %add3A_914 = arith.addf %add3A_911, %add3A_912 : vector<16xf32>
    %add3A_915 = arith.addf %add3A_913, %add3A_914 : vector<16xf32>
    %swap3A_916 = arith.constant 16 : index
    %swap3A_917 = tpu.vector_load %arg13[%swap3A_916] {strides = array<i32>} : memref<48xf32, #tpu.memory_space<vmem>>, vector<16xf32>,
    tpu.vector_store %arg13[%swap3A_916], %add3A_915 {strides = array<i32>} : memref<48xf32, #tpu.memory_space<vmem>>, vector<16xf32>,
    %add3A_918 = arith.addf %get3A_192, %get3A_291 : vector<16xf32>
    %add3A_919 = arith.addf %get3A_391, %get3A_491 : vector<16xf32>
    %add3A_920 = arith.addf %get3A_591, %get3A_691 : vector<16xf32>
    %add3A_921 = arith.addf %get3A_791, %get3A_891 : vector<16xf32>
    %add3A_922 = arith.addf %add3A_918, %add3A_919 : vector<16xf32>
    %add3A_923 = arith.addf %add3A_920, %add3A_921 : vector<16xf32>
    %add3A_924 = arith.addf %add3A_922, %add3A_923 : vector<16xf32>
    %swap3A_925 = arith.constant 32 : index
    %swap3A_926 = tpu.vector_load %arg13[%swap3A_925] {strides = array<i32>} : memref<48xf32, #tpu.memory_space<vmem>>, vector<16xf32>,
    tpu.vector_store %arg13[%swap3A_925], %add3A_924 {strides = array<i32>} : memref<48xf32, #tpu.memory_space<vmem>>, vector<16xf32>,
    %mul3A_927 = arith.constant 3 : i32
    %mul3A_928 = arith.muli %arg1, %mul3A_927 : i32
    %mul3A_929 = arith.constant 16 : i32
    %mul3A_930 = arith.muli %mul3A_928, %mul3A_929 : i32
    "tpu.region"() ({
      %run_scoped3A = tpu.sem_alloc : memref<!tpu.dma_semaphore, #tpu.memory_space<semaphore_mem>>
      %dma_start3A_935 = tpu.memref_slice %arg16[%mul3A_930] : memref<768xf32, #tpu.memory_space<vmem_shared>> -> memref<48xf32, #tpu.memory_space<vmem_shared>>
      %dma_start3A_936 = tpu.memref_slice %arg16[%mul3A_930] : memref<768xf32, #tpu.memory_space<vmem_shared>> -> memref<48xf32, #tpu.memory_space<vmem_shared>>
      tpu.enqueue_dma source(%arg13 : memref<48xf32, #tpu.memory_space<vmem>>) target(%dma_start3A_936 : memref<48xf32, #tpu.memory_space<vmem_shared>>) target_semaphore(%run_scoped3A : memref<!tpu.dma_semaphore, #tpu.memory_space<semaphore_mem>>)
      %dma_wait3A_937 = tpu.memref_slice %arg16[%mul3A_930] : memref<768xf32, #tpu.memory_space<vmem_shared>> -> memref<48xf32, #tpu.memory_space<vmem_shared>>
      %dma_wait3A_938 = tpu.memref_slice %arg16[%mul3A_930] : memref<768xf32, #tpu.memory_space<vmem_shared>> -> memref<48xf32, #tpu.memory_space<vmem_shared>>
      tpu.wait_dma2 semaphore(%run_scoped3A : memref<!tpu.dma_semaphore, #tpu.memory_space<semaphore_mem>>) src(%arg13 : memref<48xf32, #tpu.memory_space<vmem>>) dst(%dma_wait3A_938 : memref<48xf32, #tpu.memory_space<vmem_shared>>)
      tpu.yield
    }) : () -> ()
    %barrier3A = arith.constant 0 : index
    tpu.barrier barrier_id(%barrier3A)
    %eq3A_931 = arith.constant 0 : i32
    %eq3A_932 = arith.cmpi eq, %arg1, %eq3A_931 : i32
    %convert_element_type3A_933 = arith.extui %eq3A_932 : i1 to i32
    %cond3A = arith.constant 0 : i32
    %cond3A_934 = arith.cmpi ne, %convert_element_type3A_933, %cond3A : i32
    scf.if %cond3A_934 {
      "tpu.region"() ({
        %run_scoped3A = tpu.sem_alloc : memref<!tpu.dma_semaphore, #tpu.memory_space<semaphore_mem>>
        tpu.enqueue_dma source(%arg16 : memref<768xf32, #tpu.memory_space<vmem_shared>>) target(%arg14 : memref<768xf32, #tpu.memory_space<vmem>>) target_semaphore(%run_scoped3A : memref<!tpu.dma_semaphore, #tpu.memory_space<semaphore_mem>>)
        tpu.wait_dma2 semaphore(%run_scoped3A : memref<!tpu.dma_semaphore, #tpu.memory_space<semaphore_mem>>) src(%arg16 : memref<768xf32, #tpu.memory_space<vmem_shared>>) dst(%arg14 : memref<768xf32, #tpu.memory_space<vmem>>)
        tpu.yield
      }) : () -> ()
      %get3A_935 = arith.constant 0 : index
      %get3A_936 = tpu.vector_load %arg14[%get3A_935] {strides = array<i32>} : memref<768xf32, #tpu.memory_space<vmem>>, vector<16xf32>,
      %get3A_937 = arith.constant 16 : index
      %get3A_938 = tpu.vector_load %arg14[%get3A_937] {strides = array<i32>} : memref<768xf32, #tpu.memory_space<vmem>>, vector<16xf32>,
      %get3A_939 = arith.constant 32 : index
      %get3A_940 = tpu.vector_load %arg14[%get3A_939] {strides = array<i32>} : memref<768xf32, #tpu.memory_space<vmem>>, vector<16xf32>,
      %get3A_941 = arith.constant 48 : index
      %get3A_942 = tpu.vector_load %arg14[%get3A_941] {strides = array<i32>} : memref<768xf32, #tpu.memory_space<vmem>>, vector<16xf32>,
      %add3A_943 = arith.addf %get3A_936, %get3A_942 : vector<16xf32>
      %get3A_944 = arith.constant 64 : index
      %get3A_945 = tpu.vector_load %arg14[%get3A_944] {strides = array<i32>} : memref<768xf32, #tpu.memory_space<vmem>>, vector<16xf32>,
      %add3A_946 = arith.addf %get3A_938, %get3A_945 : vector<16xf32>
      %get3A_947 = arith.constant 80 : index
      %get3A_948 = tpu.vector_load %arg14[%get3A_947] {strides = array<i32>} : memref<768xf32, #tpu.memory_space<vmem>>, vector<16xf32>,
      %add3A_949 = arith.addf %get3A_940, %get3A_948 : vector<16xf32>
      %get3A_950 = arith.constant 96 : index
      %get3A_951 = tpu.vector_load %arg14[%get3A_950] {strides = array<i32>} : memref<768xf32, #tpu.memory_space<vmem>>, vector<16xf32>,
      %add3A_952 = arith.addf %add3A_943, %get3A_951 : vector<16xf32>
      %get3A_953 = arith.constant 112 : index
      %get3A_954 = tpu.vector_load %arg14[%get3A_953] {strides = array<i32>} : memref<768xf32, #tpu.memory_space<vmem>>, vector<16xf32>,
      %add3A_955 = arith.addf %add3A_946, %get3A_954 : vector<16xf32>
      %get3A_956 = arith.constant 128 : index
      %get3A_957 = tpu.vector_load %arg14[%get3A_956] {strides = array<i32>} : memref<768xf32, #tpu.memory_space<vmem>>, vector<16xf32>,
      %add3A_958 = arith.addf %add3A_949, %get3A_957 : vector<16xf32>
      %get3A_959 = arith.constant 144 : index
      %get3A_960 = tpu.vector_load %arg14[%get3A_959] {strides = array<i32>} : memref<768xf32, #tpu.memory_space<vmem>>, vector<16xf32>,
      %add3A_961 = arith.addf %add3A_952, %get3A_960 : vector<16xf32>
      %get3A_962 = arith.constant 160 : index
      %get3A_963 = tpu.vector_load %arg14[%get3A_962] {strides = array<i32>} : memref<768xf32, #tpu.memory_space<vmem>>, vector<16xf32>,
      %add3A_964 = arith.addf %add3A_955, %get3A_963 : vector<16xf32>
      %get3A_965 = arith.constant 176 : index
      %get3A_966 = tpu.vector_load %arg14[%get3A_965] {strides = array<i32>} : memref<768xf32, #tpu.memory_space<vmem>>, vector<16xf32>,
      %add3A_967 = arith.addf %add3A_958, %get3A_966 : vector<16xf32>
      %get3A_968 = arith.constant 192 : index
      %get3A_969 = tpu.vector_load %arg14[%get3A_968] {strides = array<i32>} : memref<768xf32, #tpu.memory_space<vmem>>, vector<16xf32>,
      %add3A_970 = arith.addf %add3A_961, %get3A_969 : vector<16xf32>
      %get3A_971 = arith.constant 208 : index
      %get3A_972 = tpu.vector_load %arg14[%get3A_971] {strides = array<i32>} : memref<768xf32, #tpu.memory_space<vmem>>, vector<16xf32>,
      %add3A_973 = arith.addf %add3A_964, %get3A_972 : vector<16xf32>
      %get3A_974 = arith.constant 224 : index
      %get3A_975 = tpu.vector_load %arg14[%get3A_974] {strides = array<i32>} : memref<768xf32, #tpu.memory_space<vmem>>, vector<16xf32>,
      %add3A_976 = arith.addf %add3A_967, %get3A_975 : vector<16xf32>
      %get3A_977 = arith.constant 240 : index
      %get3A_978 = tpu.vector_load %arg14[%get3A_977] {strides = array<i32>} : memref<768xf32, #tpu.memory_space<vmem>>, vector<16xf32>,
      %add3A_979 = arith.addf %add3A_970, %get3A_978 : vector<16xf32>
      %get3A_980 = arith.constant 256 : index
      %get3A_981 = tpu.vector_load %arg14[%get3A_980] {strides = array<i32>} : memref<768xf32, #tpu.memory_space<vmem>>, vector<16xf32>,
      %add3A_982 = arith.addf %add3A_973, %get3A_981 : vector<16xf32>
      %get3A_983 = arith.constant 272 : index
      %get3A_984 = tpu.vector_load %arg14[%get3A_983] {strides = array<i32>} : memref<768xf32, #tpu.memory_space<vmem>>, vector<16xf32>,
      %add3A_985 = arith.addf %add3A_976, %get3A_984 : vector<16xf32>
      %get3A_986 = arith.constant 288 : index
      %get3A_987 = tpu.vector_load %arg14[%get3A_986] {strides = array<i32>} : memref<768xf32, #tpu.memory_space<vmem>>, vector<16xf32>,
      %add3A_988 = arith.addf %add3A_979, %get3A_987 : vector<16xf32>
      %get3A_989 = arith.constant 304 : index
      %get3A_990 = tpu.vector_load %arg14[%get3A_989] {strides = array<i32>} : memref<768xf32, #tpu.memory_space<vmem>>, vector<16xf32>,
      %add3A_991 = arith.addf %add3A_982, %get3A_990 : vector<16xf32>
      %get3A_992 = arith.constant 320 : index
      %get3A_993 = tpu.vector_load %arg14[%get3A_992] {strides = array<i32>} : memref<768xf32, #tpu.memory_space<vmem>>, vector<16xf32>,
      %add3A_994 = arith.addf %add3A_985, %get3A_993 : vector<16xf32>
      %get3A_995 = arith.constant 336 : index
      %get3A_996 = tpu.vector_load %arg14[%get3A_995] {strides = array<i32>} : memref<768xf32, #tpu.memory_space<vmem>>, vector<16xf32>,
      %add3A_997 = arith.addf %add3A_988, %get3A_996 : vector<16xf32>
      %get3A_998 = arith.constant 352 : index
      %get3A_999 = tpu.vector_load %arg14[%get3A_998] {strides = array<i32>} : memref<768xf32, #tpu.memory_space<vmem>>, vector<16xf32>,
      %add3A_1000 = arith.addf %add3A_991, %get3A_999 : vector<16xf32>
      %get3A_1001 = arith.constant 368 : index
      %get3A_1002 = tpu.vector_load %arg14[%get3A_1001] {strides = array<i32>} : memref<768xf32, #tpu.memory_space<vmem>>, vector<16xf32>,
      %add3A_1003 = arith.addf %add3A_994, %get3A_1002 : vector<16xf32>
      %get3A_1004 = arith.constant 384 : index
      %get3A_1005 = tpu.vector_load %arg14[%get3A_1004] {strides = array<i32>} : memref<768xf32, #tpu.memory_space<vmem>>, vector<16xf32>,
      %add3A_1006 = arith.addf %add3A_997, %get3A_1005 : vector<16xf32>
      %get3A_1007 = arith.constant 400 : index
      %get3A_1008 = tpu.vector_load %arg14[%get3A_1007] {strides = array<i32>} : memref<768xf32, #tpu.memory_space<vmem>>, vector<16xf32>,
      %add3A_1009 = arith.addf %add3A_1000, %get3A_1008 : vector<16xf32>
      %get3A_1010 = arith.constant 416 : index
      %get3A_1011 = tpu.vector_load %arg14[%get3A_1010] {strides = array<i32>} : memref<768xf32, #tpu.memory_space<vmem>>, vector<16xf32>,
      %add3A_1012 = arith.addf %add3A_1003, %get3A_1011 : vector<16xf32>
      %get3A_1013 = arith.constant 432 : index
      %get3A_1014 = tpu.vector_load %arg14[%get3A_1013] {strides = array<i32>} : memref<768xf32, #tpu.memory_space<vmem>>, vector<16xf32>,
      %add3A_1015 = arith.addf %add3A_1006, %get3A_1014 : vector<16xf32>
      %get3A_1016 = arith.constant 448 : index
      %get3A_1017 = tpu.vector_load %arg14[%get3A_1016] {strides = array<i32>} : memref<768xf32, #tpu.memory_space<vmem>>, vector<16xf32>,
      %add3A_1018 = arith.addf %add3A_1009, %get3A_1017 : vector<16xf32>
      %get3A_1019 = arith.constant 464 : index
      %get3A_1020 = tpu.vector_load %arg14[%get3A_1019] {strides = array<i32>} : memref<768xf32, #tpu.memory_space<vmem>>, vector<16xf32>,
      %add3A_1021 = arith.addf %add3A_1012, %get3A_1020 : vector<16xf32>
      %get3A_1022 = arith.constant 480 : index
      %get3A_1023 = tpu.vector_load %arg14[%get3A_1022] {strides = array<i32>} : memref<768xf32, #tpu.memory_space<vmem>>, vector<16xf32>,
      %add3A_1024 = arith.addf %add3A_1015, %get3A_1023 : vector<16xf32>
      %get3A_1025 = arith.constant 496 : index
      %get3A_1026 = tpu.vector_load %arg14[%get3A_1025] {strides = array<i32>} : memref<768xf32, #tpu.memory_space<vmem>>, vector<16xf32>,
      %add3A_1027 = arith.addf %add3A_1018, %get3A_1026 : vector<16xf32>
      %get3A_1028 = arith.constant 512 : index
      %get3A_1029 = tpu.vector_load %arg14[%get3A_1028] {strides = array<i32>} : memref<768xf32, #tpu.memory_space<vmem>>, vector<16xf32>,
      %add3A_1030 = arith.addf %add3A_1021, %get3A_1029 : vector<16xf32>
      %get3A_1031 = arith.constant 528 : index
      %get3A_1032 = tpu.vector_load %arg14[%get3A_1031] {strides = array<i32>} : memref<768xf32, #tpu.memory_space<vmem>>, vector<16xf32>,
      %add3A_1033 = arith.addf %add3A_1024, %get3A_1032 : vector<16xf32>
      %get3A_1034 = arith.constant 544 : index
      %get3A_1035 = tpu.vector_load %arg14[%get3A_1034] {strides = array<i32>} : memref<768xf32, #tpu.memory_space<vmem>>, vector<16xf32>,
      %add3A_1036 = arith.addf %add3A_1027, %get3A_1035 : vector<16xf32>
      %get3A_1037 = arith.constant 560 : index
      %get3A_1038 = tpu.vector_load %arg14[%get3A_1037] {strides = array<i32>} : memref<768xf32, #tpu.memory_space<vmem>>, vector<16xf32>,
      %add3A_1039 = arith.addf %add3A_1030, %get3A_1038 : vector<16xf32>
      %get3A_1040 = arith.constant 576 : index
      %get3A_1041 = tpu.vector_load %arg14[%get3A_1040] {strides = array<i32>} : memref<768xf32, #tpu.memory_space<vmem>>, vector<16xf32>,
      %add3A_1042 = arith.addf %add3A_1033, %get3A_1041 : vector<16xf32>
      %get3A_1043 = arith.constant 592 : index
      %get3A_1044 = tpu.vector_load %arg14[%get3A_1043] {strides = array<i32>} : memref<768xf32, #tpu.memory_space<vmem>>, vector<16xf32>,
      %add3A_1045 = arith.addf %add3A_1036, %get3A_1044 : vector<16xf32>
      %get3A_1046 = arith.constant 608 : index
      %get3A_1047 = tpu.vector_load %arg14[%get3A_1046] {strides = array<i32>} : memref<768xf32, #tpu.memory_space<vmem>>, vector<16xf32>,
      %add3A_1048 = arith.addf %add3A_1039, %get3A_1047 : vector<16xf32>
      %get3A_1049 = arith.constant 624 : index
      %get3A_1050 = tpu.vector_load %arg14[%get3A_1049] {strides = array<i32>} : memref<768xf32, #tpu.memory_space<vmem>>, vector<16xf32>,
      %add3A_1051 = arith.addf %add3A_1042, %get3A_1050 : vector<16xf32>
      %get3A_1052 = arith.constant 640 : index
      %get3A_1053 = tpu.vector_load %arg14[%get3A_1052] {strides = array<i32>} : memref<768xf32, #tpu.memory_space<vmem>>, vector<16xf32>,
      %add3A_1054 = arith.addf %add3A_1045, %get3A_1053 : vector<16xf32>
      %get3A_1055 = arith.constant 656 : index
      %get3A_1056 = tpu.vector_load %arg14[%get3A_1055] {strides = array<i32>} : memref<768xf32, #tpu.memory_space<vmem>>, vector<16xf32>,
      %add3A_1057 = arith.addf %add3A_1048, %get3A_1056 : vector<16xf32>
      %get3A_1058 = arith.constant 672 : index
      %get3A_1059 = tpu.vector_load %arg14[%get3A_1058] {strides = array<i32>} : memref<768xf32, #tpu.memory_space<vmem>>, vector<16xf32>,
      %add3A_1060 = arith.addf %add3A_1051, %get3A_1059 : vector<16xf32>
      %get3A_1061 = arith.constant 688 : index
      %get3A_1062 = tpu.vector_load %arg14[%get3A_1061] {strides = array<i32>} : memref<768xf32, #tpu.memory_space<vmem>>, vector<16xf32>,
      %add3A_1063 = arith.addf %add3A_1054, %get3A_1062 : vector<16xf32>
      %get3A_1064 = arith.constant 704 : index
      %get3A_1065 = tpu.vector_load %arg14[%get3A_1064] {strides = array<i32>} : memref<768xf32, #tpu.memory_space<vmem>>, vector<16xf32>,
      %add3A_1066 = arith.addf %add3A_1057, %get3A_1065 : vector<16xf32>
      %get3A_1067 = arith.constant 720 : index
      %get3A_1068 = tpu.vector_load %arg14[%get3A_1067] {strides = array<i32>} : memref<768xf32, #tpu.memory_space<vmem>>, vector<16xf32>,
      %add3A_1069 = arith.addf %add3A_1060, %get3A_1068 : vector<16xf32>
      %get3A_1070 = arith.constant 736 : index
      %get3A_1071 = tpu.vector_load %arg14[%get3A_1070] {strides = array<i32>} : memref<768xf32, #tpu.memory_space<vmem>>, vector<16xf32>,
      %add3A_1072 = arith.addf %add3A_1063, %get3A_1071 : vector<16xf32>
      %get3A_1073 = arith.constant 752 : index
      %get3A_1074 = tpu.vector_load %arg14[%get3A_1073] {strides = array<i32>} : memref<768xf32, #tpu.memory_space<vmem>>, vector<16xf32>,
      %add3A_1075 = arith.addf %add3A_1066, %get3A_1074 : vector<16xf32>
      %reduce_sum3A = arith.constant true
      %reduce_sum3A_1076 = vector.broadcast %reduce_sum3A : i1 to vector<16xi1>
      %reduce_sum3A_1077 = tpu.scan <sum>, %add3A_1069 masked %reduce_sum3A_1076 : vector<16xf32>, vector<16xi1> -> vector<16xf32>
      %reduce_sum3A_1078 = vector.extract %reduce_sum3A_1077[15] : f32 from vector<16xf32>
      %broadcast_in_dim3A_1079 = vector.broadcast %reduce_sum3A_1078 : f32 to vector<16xf32>
      %reduce_sum3A_1080 = arith.constant true
      %reduce_sum3A_1081 = vector.broadcast %reduce_sum3A_1080 : i1 to vector<16xi1>
      %reduce_sum3A_1082 = tpu.scan <sum>, %add3A_1072 masked %reduce_sum3A_1081 : vector<16xf32>, vector<16xi1> -> vector<16xf32>
      %reduce_sum3A_1083 = vector.extract %reduce_sum3A_1082[15] : f32 from vector<16xf32>
      %broadcast_in_dim3A_1084 = vector.broadcast %reduce_sum3A_1083 : f32 to vector<16xf32>
      %reduce_sum3A_1085 = arith.constant true
      %reduce_sum3A_1086 = vector.broadcast %reduce_sum3A_1085 : i1 to vector<16xi1>
      %reduce_sum3A_1087 = tpu.scan <sum>, %add3A_1075 masked %reduce_sum3A_1086 : vector<16xf32>, vector<16xi1> -> vector<16xf32>
      %reduce_sum3A_1088 = vector.extract %reduce_sum3A_1087[15] : f32 from vector<16xf32>
      %broadcast_in_dim3A_1089 = vector.broadcast %reduce_sum3A_1088 : f32 to vector<16xf32>
      %max3A_1090 = arith.constant 1.000000e+00 : f32
      %max3A_1091 = vector.broadcast %max3A_1090 : f32 to vector<16xf32>
      %max3A_1092 = arith.maximumf %broadcast_in_dim3A_1089, %max3A_1091 : vector<16xf32>
      %div3A = arith.divf %broadcast_in_dim3A_1079, %max3A_1092 : vector<16xf32>
      %div3A_1093 = arith.divf %broadcast_in_dim3A_1084, %max3A_1092 : vector<16xf32>
      %mul3A_1094 = arith.constant 1.000000e+00 : f32
      %mul3A_1095 = vector.broadcast %mul3A_1094 : f32 to vector<16xf32>
      %mul3A_1096 = arith.mulf %mul3A_1095, %div3A : vector<16xf32>
      %mul3A_1097 = arith.constant 1.000000e-01 : f32
      %mul3A_1098 = vector.broadcast %mul3A_1097 : f32 to vector<16xf32>
      %mul3A_1099 = arith.mulf %mul3A_1098, %div3A_1093 : vector<16xf32>
      %add3A_1100 = arith.addf %mul3A_1096, %mul3A_1099 : vector<16xf32>
      %eq3A_1101 = arith.constant 0 : i32
      %eq3A_1102 = vector.broadcast %eq3A_1101 : i32 to vector<16xi32>
      %eq3A_1103 = arith.cmpi eq, %iota3A, %eq3A_1102 : vector<16xi32>
      %eq3A_1104 = arith.constant 1 : i32
      %eq3A_1105 = vector.broadcast %eq3A_1104 : i32 to vector<16xi32>
      %eq3A_1106 = arith.cmpi eq, %iota3A, %eq3A_1105 : vector<16xi32>
      %select_n3A_1107 = arith.select %eq3A_1106, %div3A_1093, %add3A_1100 : vector<16xi1>, vector<16xf32>
      %select_n3A_1108 = arith.select %eq3A_1103, %div3A, %select_n3A_1107 : vector<16xi1>, vector<16xf32>
      %swap3A_1109 = arith.constant 0 : index
      %swap3A_1110 = tpu.vector_load %arg15[%swap3A_1109] {strides = array<i32>} : memref<16xf32, #tpu.memory_space<vmem>>, vector<16xf32>,
      tpu.vector_store %arg15[%swap3A_1109], %select_n3A_1108 {strides = array<i32>} : memref<16xf32, #tpu.memory_space<vmem>>, vector<16xf32>,
      "tpu.region"() ({
        %run_scoped3A = tpu.sem_alloc : memref<!tpu.dma_semaphore, #tpu.memory_space<semaphore_mem>>
        tpu.enqueue_dma source(%arg15 : memref<16xf32, #tpu.memory_space<vmem>>) target(%arg7 : memref<16xf32, #tpu.memory_space<hbm>>) target_semaphore(%run_scoped3A : memref<!tpu.dma_semaphore, #tpu.memory_space<semaphore_mem>>)
        tpu.wait_dma2 semaphore(%run_scoped3A : memref<!tpu.dma_semaphore, #tpu.memory_space<semaphore_mem>>) src(%arg15 : memref<16xf32, #tpu.memory_space<vmem>>) dst(%arg7 : memref<16xf32, #tpu.memory_space<hbm>>)
        tpu.yield
      }) : () -> ()
    } else {
    }
    return
  }
}

</mosaic_0001>

<sc_bundles>
// kernel: kernel.3.cloned.1.call-start
scs
__scs_entry_jumppad:
0x0: {  	(pc) =	sbr.rel $0x88, $3  }
0x1: {  	(tag) =	ssettag $0x0;
	lr =	simm.s32 $0x1  }
0x2: {  	[smem:$0x3F9B] =	sst lr;
	_ =	strace $0xD0000000  }
0x3: {  	_ = 	snop  }
0x4: {  	_ = 	snop  }
0x5: {  	_ = 	snop  }
0x6: {  	_ = 	snop  }
0x7: {  	_ = 	snop  }
__scs_overlays_trampoline_lowered:
0x8: {  	[smem:$0x3FAA] =	sst s0  }
0x9: {  	[smem:$0x3FAB] =	sst s1  }
0xa: {  	[smem:$0x3FAC] =	sst s2  }
0xb: {  	[smem:$0x3FAD] =	sst s3  }
0xc: {  	[smem:$0x3FAE] =	sst s4  }
0xd: {  	[smem:$0x3FAF] =	sst s5  }
0xe: {  	[smem:$0x3FB0] =	sst s6  }
0xf: {  	[smem:$0x3FB1] =	sst s7  }
0x10: {  	[smem:$0x3FB2] =	sst s8  }
0x11: {  	[smem:$0x3FB3] =	sst s9;
	s0 =	simm.s32 @!p0 $0x0  }
0x12: {  	s1 =	sld [smem:$0x3F99];
	s0 =	simm.s32 @p0 $0x1  }
0x13: {  	[smem:$0x3FB4] =	sst s0;
	s0 =	simm.s32 @!p1 $0x0  }
0x14: {  	s2 =	sld [smem:$0x3F98];
	s0 =	simm.s32 @p1 $0x1  }
0x15: {  	[smem:$0x3FB5] =	sst s0;
	s0 =	simm.s32 @!p2 $0x0  }
0x16: {  	s3 =	sld [smem:$0x3FDB];
	s0 =	simm.s32 @p2 $0x1  }
0x17: {  	s4 =	simm.s32 $0x1BF5;
	[smem:$0x3FB7] =	sst s0  }
0x18: {  	s0 =	sld [smem:$0x3F9A];
	_ =	swait.ge [sflag:s4], $0x0  }
0x19: {  	s7 =	sld [smem:$0x3F9B]  }
0x1a: {  	s8 =	sadd.s32 $0xFFFFE003, lr  }
0x1b: {  	s9 =	sadd.s32 $0xFFFFFEF7, lr;
	s5 =	simm.s32 $0xFFFFFFFF;
	p2 =	slt.u32 s8, $0xFFFFF086  }
0x1c: {  	p1 =	slt.u32 s9, $0xF7A;
	s5 =	simm.s32 @!p2 $0x0  }
0x1d: {  	s5 =	simm.s32 @p1 $0x1;
	p0 =	seq.s32 s7, s2  }
0x1e: {  	s7 =	smul.u32 @!p0 $0xF7A, s2;
	p2 =	seq.s32 @!p0 s5, $0x0  }
0x1f: {  	s9 =	smul.u32 $0xF7A, s1;
	s8 =	simm.s32 @!p0 $0x1BF5;
	p2 =	por !p2, p0  }
0x20: {  	[sflag:s8] =	ssyncset.s32 @!p0 $0xFFFFF086;
	s6 =	sadd.s32 @!p0 s3, s7;
	s7 =	simm.s32 @!p0 $0x108  }
0x21: {  	s3 =	sadd.s32 s3, s9;
	s6 =	sadd.s32 @!p0 $0x88, s6;
	s7 =	simm.s32 @p2 $0x1082  }
0x22: {  	[simem:s7], [sflag:s8] =	dma.local @!p0 [hbm:s6], $0xF7A  }
0x23: {  	s9 =	sor.u32 $0xD0000000, s2;
	s6 =	simm.s32 $0x108;
	_ =	swait.ge @!p0 [sflag:s8], $0x0  }
0x24: {  	s3 =	sadd.s32 $0x88, s3;
	s6 =	simm.s32 @!p1 $0x1082;
	[sflag:s4] =	ssyncset.s32 $0xFFFFF086  }
0x25: {  	[simem:s6], [sflag:s4] =	dma.local [hbm:s3], $0xF7A  }
0x26: {  	[smem:$0x3F9B] =	sst s1;
	(tag) =	ssettag s2;
	_ =	strace s9  }
0x27: {  	s1 =	sld [smem:$0x3FAB]  }
0x28: {  	s2 =	sld [smem:$0x3FAC]  }
0x29: {  	s4 =	sld [smem:$0x3FAE]  }
0x2a: {  	p0 =	seq.s32 s5, $0x0;
	s5 =	sld [smem:$0x3FAF]  }
0x2b: {  	s6 =	sld [smem:$0x3FB0]  }
0x2c: {  	s7 =	sld [smem:$0x3FB1]  }
0x2d: {  	s3 =	simm.s32 $0x108;
	s8 =	sld [smem:$0x3FB2]  }
0x2e: {  	s3 =	simm.s32 @!p0 $0x1082;
	s9 =	sld [smem:$0x3FB3]  }
0x2f: {  	lr =	sadd.s32 s0, s3;
	s0 =	sld [smem:$0x3FAA]  }
0x30: {  	s3 =	sld [smem:$0x3FAD]  }
0x31: {  	[smem:$0x3FB6] =	sst s10  }
0x32: {  	s10 =	sld [smem:$0x3FB4];
	_ =	sdelay $0x3  }
0x33: {  	p0 =	seq.s32 s10, $0x1;
	s10 =	sld [smem:$0x3FB6];
	_ =	sdelay $0x3  }
0x34: {  	[smem:$0x3FB6] =	sst s10  }
0x35: {  	s10 =	sld [smem:$0x3FB5];
	_ =	sdelay $0x3  }
0x36: {  	p1 =	seq.s32 s10, $0x1;
	s10 =	sld [smem:$0x3FB6];
	_ =	sdelay $0x3  }
0x37: {  	[smem:$0x3FB6] =	sst s10  }
0x38: {  	s10 =	sld [smem:$0x3FB7]  }
0x39: {  	_ = 	snop;
	(pc) =	sbr.ind lr, $3  }
0x3a: {  	_ = 	snop  }
0x3b: {  	_ = 	snop  }
0x3c: {  	p2 =	seq.s32 s10, $0x1;
	s10 =	sld [smem:$0x3FB6]  }
0x3d: {  	_ =	shalt  }
0x3e: {  	_ =	shalt  }
0x3f: {  	_ =	shalt  }
0x40: {  	_ =	shalt  }
0x41: {  	_ =	shalt  }
0x42: {  	_ =	shalt  }
0x43: {  	_ =	shalt  }
0x44: {  	_ =	shalt  }
0x45: {  	_ =	shalt  }
0x46: {  	_ =	shalt  }
0x47: {  	_ =	shalt  }
0x48: {  	_ =	shalt  }
0x49: {  	_ =	shalt  }
0x4a: {  	_ =	shalt  }
0x4b: {  	_ =	shalt  }
0x4c: {  	_ =	shalt  }
0x4d: {  	_ =	shalt  }
0x4e: {  	_ =	shalt  }
0x4f: {  	_ =	shalt  }
0x50: {  	_ =	shalt  }
0x51: {  	_ =	shalt  }
0x52: {  	_ =	shalt  }
0x53: {  	_ =	shalt  }
0x54: {  	_ =	shalt  }
0x55: {  	_ =	shalt  }
0x56: {  	_ =	shalt  }
0x57: {  	_ =	shalt  }
0x58: {  	_ =	shalt  }
0x59: {  	_ =	shalt  }
0x5a: {  	_ =	shalt  }
0x5b: {  	_ =	shalt  }
0x5c: {  	_ =	shalt  }
0x5d: {  	_ =	shalt  }
0x5e: {  	_ =	shalt  }
0x5f: {  	_ =	shalt  }
0x60: {  	_ =	shalt  }
0x61: {  	_ =	shalt  }
0x62: {  	_ =	shalt  }
0x63: {  	_ =	shalt  }
0x64: {  	_ =	shalt  }
0x65: {  	_ =	shalt  }
0x66: {  	_ =	shalt  }
0x67: {  	_ =	shalt  }
0x68: {  	_ =	shalt  }
0x69: {  	_ =	shalt  }
0x6a: {  	_ =	shalt  }
0x6b: {  	_ =	shalt  }
0x6c: {  	_ =	shalt  }
0x6d: {  	_ =	shalt  }
0x6e: {  	_ =	shalt  }
0x6f: {  	_ =	shalt  }
0x70: {  	_ =	shalt  }
0x71: {  	_ =	shalt  }
0x72: {  	_ =	shalt  }
0x73: {  	_ =	shalt  }
0x74: {  	_ =	shalt  }
0x75: {  	_ =	shalt  }
0x76: {  	_ =	shalt  }
0x77: {  	_ =	shalt  }
0x78: {  	_ =	shalt  }
0x79: {  	_ =	shalt  }
0x7a: {  	_ =	shalt  }
0x7b: {  	_ =	shalt  }
0x7c: {  	_ =	shalt  }
0x7d: {  	_ =	shalt  }
0x7e: {  	_ =	shalt  }
0x7f: {  	_ =	shalt  }
0x80: {  	_ =	shalt  }
0x81: {  	_ =	shalt  }
0x82: {  	_ =	shalt  }
0x83: {  	_ =	shalt  }
0x84: {  	_ =	shalt  }
0x85: {  	_ =	shalt  }
0x86: {  	_ =	shalt  }
0x87: {  	_ =	shalt  }
.Lfunc_end0:
.L_simem_size_0:
called_computation_lowered:
.L_overlay_start_0:
0x88: {  	s0 =	sld [smem:$0x3FD9]  }
0x89: {  	s1 =	sld [smem:$0x3FFE];
	_ =	sdelay $0x3  }
0x8a: {  	s0 =	sadd.s32 s1, s0  }
0x8b: {  	[smem:$0x3FC2] =	sst s0  }
0x8c: {  	_ = 	snop  }
0x8d: {  	s0 =	sld [smem:$0x3FC9]  }
0x8e: {  	s16 =	sld [smem:$0x3FC8];
	(tm) =	ssettm $0x1  }
0x8f: {  	s2 =	sld [smem:$0x3FFB];
	_ =	sdelay $0x3  }
0x90: {  	_ =	strace s2  }
0x91: {  	s2 =	sld [smem:$0x3FFC];
	_ =	sdelay $0x3  }
0x92: {  	_ =	strace s2  }
0x93: {  	s2 =	sld [smem:$0x3FFD];
	_ =	sdelay $0x3  }
0x94: {  	_ =	strace s2  }
0x95: {  	_ =	strace $0x8FFFFFFF  }
0x96: {  	s17 =	sld [smem:$0x3FDB];
	_ =	sdelay $0x1  }
0x97: {  	s3 =	simm.s32 $_scs_section_size  }
0x98: {  	s4 =	simm.s32 $_size__tile_overlayer_lowered;
	s5 =	simm.s32 $_tile_overlayer_lowered  }
0x99: {  	s20 =	simm.s32 $0x1BFF;
	s19 =	sshll.u32 s5, $0x1;
	s2 =	sadd.s32 s3, s17  }
0x9a: {  	s6 =	simm.s32 $0x0;
	s18 =	sshll.u32 s4, $0x1;
	s4 =	sadd.s32 s19, s2  }
0x9b: {  	[timem:s6], [sflag:s20] =	dma.local [hbm:s4], s18  }
0x9c: {  	_ =	swait.ge [sflag:s20], s18  }
0x9d: {  	s3 =	ssub.s32 $0x0, s18;
	[sflag:s20] =	ssyncset.done $0x0  }
0x9e: {  	[sflag:s20] =	ssyncadd.s32 s3;
	_ =	sdelay $0x1  }
0x9f: {  	s21 =	simm.s32 $0x1B8B  }
0xa0: {  	_ =	swait.ge [sflag:s21], $0x1  }
0xa1: {  	[sflag:s21] =	ssyncset.done $0x0  }
0xa2: {  	s23 =	simm.s32 $0x1B8E;
	s22 =	sld [smem:$0x3FFE];
	[sflag:s21] =	ssyncadd.s32 $0xFFFFFFFF  }
0xa3: {  	s24 =	simm.s32 $execute0_lowered;
	[smem:$0x3FD2] =	sst s23  }
0xa4: {  	s4 =	sshll.u32 s24, $0x1;
	_ =	strace $0x80000046;
	[dreg:$0x1] =	wrdreg $0xFFFFFFFF  }
0xa5: {  	s25 =	simm.s32 $_size_execute0_lowered;
	s2 =	sadd.s32 s2, s4;
	[dreg:$0x0] =	wrdreg $0x0  }
0xa6: {  	s4 =	sshll.u32 s25, $0x1;
	[dreg:$0x2] =	wrdreg s2  }
0xa7: {  	[dreg:$0x3] =	wrdreg s4  }
0xa8: {  	[dreg:$0x4] =	wrdreg $0xC0  }
0xa9: {  	_ =	task [dreg:s6], $0x5FFFF  }
0xaa: {  	[dreg:$0x1] =	wrdreg $0xFFFFFFFF  }
0xab: {  	[dreg:$0x0] =	wrdreg $0x60  }
0xac: {  	[dreg:$0x2] =	wrdreg s0  }
0xad: {  	[dreg:$0x3] =	wrdreg s16  }
0xae: {  	[dreg:$0x4] =	wrdreg s22  }
0xaf: {  	[dreg:$0x5] =	wrdreg $0xC800  }
0xb0: {  	[dreg:$0x6] =	wrdreg $0x9  }
0xb1: {  	_ =	task.clear_ibuf [dreg:s6], $0x7FFFF;
	_ =	strace $0x90000046  }
0xb2: {  	s26 =	simm.s32 $0x9;
	_ =	strace $0x80000048  }
0xb3: {  	_ =	swait.ge [sflag:s26], $0x1  }
0xb4: {  	[sflag:s26] =	ssyncadd.s32 $0xFFFFFFFF  }
0xb5: {  	_ =	strace $0x90000048  }
0xb6: {  	_ =	sfence  }
0xb7: {  	s28 =	sld [smem:$0x0];
	_ =	sdelay $0x1  }
0xb8: {  	s29 =	srdreg.scid  }
0xb9: {  	s30 =	sshll.u32 s29, $0xD;
	s31 =	sshrl.u32 s29, $0x2  }
0xba: {  	s1 =	sand.u32 $0x1, s29;
	s2 =	sand.u32 $0x4000, s30;
	s0 =	sadd.s32 s31, s28  }
0xbb: {  	s1 =	sor.u32 s2, s1;
	s0 =	sshll.u32 s0, $0x11  }
0xbc: {  	s0 =	sor.u32 s0, s1  }
0xbd: {  	s0 =	sadd.s32 $0x8F2B, s0  }
0xbe: {  	[sflag:s0] =	ssyncadd.remote.s32 $0x1  }
0xbf: {  	_ =	sfence.sel $0xFFFF  }
0xc0: {  	[dreg:$0x0] =	wrdreg $0xFFFFFFFF;
	(pc) =	sbr.abs _section_cstart, $3  }
0xc1: {  	[dreg:$0x1] =	wrdreg $0xFFFFFFFF  }
0xc2: {  	_ =	task.clear_ibuf [dreg:s6], $0x2FFFF;
	_ =	strace $0x9FFFFFFF  }
0xc3: {  	(tm) =	ssettm $0x7FFFFFFF  }
tec
execute0_lowered:
.L_overlay_start_1:
0x0: {  	(tag) =	ssettag $0x1  }
0x1: {  	s5 =	rddreg [dreg:$0x0]  }
0x2: {  	s6 =	rddreg [dreg:$0x1]  }
0x3: {  	s1 =	rddreg [dreg:$0x2]  }
0x4: {  	s3 =	rddreg [dreg:$0x3];
	s4 =	stileid.u32  }
0x5: {  	s0 =	rddreg [dreg:$0x4];
	s2 =	simm.s32 $0x0;
	s7 =	sshrl.u32 s4, $0x3  }
0x6: {  	s31 =	simm.s32 $0x80;
	s8 =	sshll.u32 s4, $0x7;
	s9 =	smul.u32 $0x1C00, s7  }
0x7: {  	s11 =	simm.s32 $0x400;
	[smem:$0x7FF] =	sst s2;
	s8 =	sand.u32 $0x380, s8  }
0x8: {  	_ =	strace $0x80000047;
	s10 =	sshll.u32 s7, $0xA;
	s9 =	sor.u32 s8, s9  }
0x9: {  	s7 =	sshll.u32 s7, $0xB;
	s10 =	sor.u32 s8, s10;
	s9 =	sshrl.u32 s9, $0x3  }
0xa: {  	s7 =	sor.u32 s8, s7;
	s10 =	sshrl.u32 s10, $0x3;
	s29 =	sadd.s32 s9, s1  }
0xb: {  	s7 =	sshrl.u32 s7, $0x3;
	s30 =	sadd.s32 s10, s1;
	s8 =	sadd.s32 $0xC00, s29  }
0xc: {  	[tilespmem:s2], [sflag:$0x1] =	stream.strided.gather [hbm4b:s8+s31], $0x380, s11, s31, $0x38;
	[tilespmem:$0xCB0] =	vst v63  }
0xd: {  	s13 =	simm.s32 $0x380;
	s7 =	sadd.s32 s7, s1;
	s12 =	sadd.s32 $0xA00, s30  }
0xe: {  	[tilespmem:s13], [sflag:$0x2] =	stream.linear.gather [hbm4b:s12+s2], $0x80, $0x38;
	[tilespmem:$0xCB0] =	vst v63  }
0xf: {  	s14 =	simm.s32 $0x1;
	s7 =	sadd.s32 $0x1400, s7  }
0x10: {  	[tilespmem:s11], [sflag:$0x3] =	stream.strided.gather [hbm4b:s7+s31], $0x100, s11, s31, $0x38;
	[tilespmem:$0xCB0] =	vst v63  }
0x11: {  	_ =	swait.ge [sflag:s14], $0x380  }
0x12: {  	[sflag:s14] =	ssyncset.done $0x0  }
0x13: {  	s15 =	simm.s32 $0x500;
	[sflag:s14] =	ssyncadd.s32 $0xFFFFFC80  }
0x14: {  	[tilespmem:s15], [sflag:$0x1] =	stream.indirect.gather [hbm4b:s5+s31], $0x1, s2, s31, $0xb8;
	[tilespmem:$0xCB0] =	vst v63  }
0x15: {  	s16 =	simm.s32 $0x580  }
0x16: {  	[tilespmem:s16], [sflag:$0x1] =	stream.indirect.gather [hbm4b:s5+s31], $0x1, s31, s31, $0xb8;
	[tilespmem:$0xCB0] =	vst v63  }
0x17: {  	s17 =	simm.s32 $0x100;
	s18 =	simm.s32 $0x600  }
0x18: {  	[tilespmem:s18], [sflag:$0x1] =	stream.indirect.gather [hbm4b:s5+s31], $0x1, s17, s31, $0xb8;
	[tilespmem:$0xCB0] =	vst v63  }
0x19: {  	s19 =	simm.s32 $0x180;
	s20 =	simm.s32 $0x680  }
0x1a: {  	[tilespmem:s20], [sflag:$0x1] =	stream.indirect.gather [hbm4b:s5+s31], $0x1, s19, s31, $0xb8;
	[tilespmem:$0xCB0] =	vst v63  }
0x1b: {  	s21 =	simm.s32 $0x200;
	s22 =	simm.s32 $0x700  }
0x1c: {  	[tilespmem:s22], [sflag:$0x1] =	stream.indirect.gather [hbm4b:s5+s31], $0x1, s21, s31, $0xb8;
	[tilespmem:$0xCB0] =	vst v63  }
0x1d: {  	s23 =	simm.s32 $0x280;
	s24 =	simm.s32 $0x780  }
0x1e: {  	[tilespmem:s24], [sflag:$0x1] =	stream.indirect.gather [hbm4b:s5+s31], $0x1, s23, s31, $0xb8;
	[tilespmem:$0xCB0] =	vst v63  }
0x1f: {  	s25 =	simm.s32 $0x300;
	s26 =	simm.s32 $0x800;
	s28 =	simm.s32 $0x2  }
0x20: {  	[tilespmem:s26], [sflag:$0x1] =	stream.indirect.gather [hbm4b:s6+s31], $0x1, s25, s31, $0xb8;
	[tilespmem:$0xCB0] =	vst v63  }
0x21: {  	_ =	swait.ge [sflag:s28], $0x80  }
0x22: {  	[sflag:s28] =	ssyncset.done $0x0  }
0x23: {  	s29 =	simm.s32 $0x3;
	[sflag:s28] =	ssyncadd.s32 $0xFFFFFF80  }
0x24: {  	_ =	swait.ge [sflag:s29], $0x100  }
0x25: {  	[sflag:s29] =	ssyncset.done $0x0  }
0x26: {  	[sflag:s29] =	ssyncadd.s32 $0xFFFFFF00  }
0x27: {  	_ =	swait.ge [sflag:s14], $0x80  }
0x28: {  	[sflag:s14] =	ssyncset.done $0x0  }
0x29: {  	[sflag:s14] =	ssyncadd.s32 $0xFFFFFF80  }
0x2a: {  	_ =	swait.ge [sflag:s14], $0x80  }
0x2b: {  	[sflag:s14] =	ssyncset.done $0x0  }
0x2c: {  	[sflag:s14] =	ssyncadd.s32 $0xFFFFFF80  }
0x2d: {  	_ =	swait.ge [sflag:s14], $0x80  }
0x2e: {  	[sflag:s14] =	ssyncset.done $0x0  }
0x2f: {  	[sflag:s14] =	ssyncadd.s32 $0xFFFFFF80  }
0x30: {  	_ =	swait.ge [sflag:s14], $0x80  }
0x31: {  	[sflag:s14] =	ssyncset.done $0x0  }
0x32: {  	[sflag:s14] =	ssyncadd.s32 $0xFFFFFF80  }
0x33: {  	_ =	swait.ge [sflag:s14], $0x80  }
0x34: {  	[sflag:s14] =	ssyncset.done $0x0  }
0x35: {  	[sflag:s14] =	ssyncadd.s32 $0xFFFFFF80  }
0x36: {  	_ =	swait.ge [sflag:s14], $0x80  }
0x37: {  	[sflag:s14] =	ssyncset.done $0x0  }
0x38: {  	[sflag:s14] =	ssyncadd.s32 $0xFFFFFF80  }
0x39: {  	_ =	swait.ge [sflag:s14], $0x80  }
0x3a: {  	[sflag:s14] =	ssyncset.done $0x0  }
0x3b: {  	[sflag:s14] =	ssyncadd.s32 $0xFFFFFF80  }
0x3c: {  	v7 =	vld [tilespmem:$0x500]  }
0x3d: {  	v21 =	vld [tilespmem:$0x580]  }
0x3e: {  	v49 =	vld [tilespmem:$0x600]  }
0x3f: {  	v6 =	vld [tilespmem:$0x680]  }
0x40: {  	v5 =	vld [tilespmem:$0x700]  }
0x41: {  	v3 =	vld [tilespmem:$0x780];
	_ =	sdelay $0x3  }
0x42: {  	v0 =	vmax.f32 v7, v21;
	v1 =	vmax.f32 v49, v6  }
0x43: {  	v2 =	vmax.f32 v5, v3;
	v0 =	vmax.f32 v0, v1  }
0x44: {  	v10 =	vmax.f32 v0, v2  }
0x45: {  	v0 =	vsub.f32 v7, v10  }
0x46: {  	v18 =	vsub.f32 v21, v10  }
0x47: {  	v2 =	vsub.f32 v49, v10;
	v0 =	vmul.f32 $1.442695020e+00, v0  }
0x48: {  	v19 =	vsub.f32 v6, v10;
	v1 =	vmul.f32 $1.442695020e+00, v18  }
0x49: {  	v4 =	vmovc v3;
	v22 =	vsub.f32 v5, v10;
	v20 =	vmul.f32 $1.442695020e+00, v2;
	(erf) = vpow2.f32 v0  }
0x4a: {  	v24 =	vsub.f32 v4, v10;
	v23 =	vmul.f32 $1.442695020e+00, v19;
	(erf) = vpow2.f32 v1  }
0x4b: {  	v25 =	vmul.f32 $1.442695020e+00, v22;
	(erf) = vpow2.f32 v20  }
0x4c: {  	v26 =	vmul.f32 $1.442695020e+00, v24;
	(erf) = vpow2.f32 v23  }
0x4d: {  	(erf) = vpow2.f32 v25  }
0x4e: {  	(erf) = vpow2.f32 v26;
	_ =	sdelay $0x3  }
0x4f: {  	v27 =	vpop (erf)  }
0x50: {  	v28 =	vpop (erf)  }
0x51: {  	v29 =	vpop (erf)  }
0x52: {  	v30 =	vpop (erf)  }
0x53: {  	v0 =	vadd.f32 v28, v27;
	v31 =	vpop (erf);
	v32 =	vadd.f32 v30, v29  }
0x54: {  	v33 =	vpop (erf)  }
0x55: {  	v2 =	vadd.f32 v33, v31;
	v0 =	vadd.f32 v32, v0;
	_ =	sdelay $0x1  }
0x56: {  	v30 =	vadd.f32 v0, v2;
	_ =	sdelay $0x1  }
0x57: {  	v0 =	vadd.s32 $0xC0800000, v30  }
0x58: {  	v0 =	vcvt.s32.f32 v0;
	_ =	sdelay $0x1  }
0x59: {  	v0 =	vmul.f32 $8.262958320e-08, v0;
	_ =	sdelay $0x1  }
0x5a: {  	v34 =	vsub.f32 $0.0e+00, v0;
	_ =	sdelay $0x1  }
0x5b: {  	v1 =	vmul.f32 $1.442695020e+00, v34;
	_ =	sdelay $0x1  }
0x5c: {  	(erf) = vpow2.f32 v1;
	_ =	sdelay $0x2  }
0x5d: {  	v48 =	vld [tilespmem:$0x590]  }
0x5e: {  	v35 =	vld [tilespmem:$0x610]  }
0x5f: {  	v36 =	vld [tilespmem:$0x690]  }
0x60: {  	v37 =	vld [tilespmem:$0x710]  }
0x61: {  	v33 =	vld [tilespmem:$0x510]  }
0x62: {  	v38 =	vld [tilespmem:$0x790]  }
0x63: {  	v1 =	vpop (erf)  }
0x64: {  	v0 =	vadd.f32 $-1.000000000e+00, v0;
	v1 =	vmul.f32 v1, v30;
	_ =	sdelay $0x1  }
0x65: {  	v40 =	vmax.f32 v35, v36;
	v39 =	vmax.f32 v33, v48;
	v8 =	vadd.f32 v1, v0  }
0x66: {  	v41 =	vmax.f32 v37, v38;
	v0 =	vmax.f32 v39, v40  }
0x67: {  	v11 =	vmax.f32 v0, v41;
	v43 =	vsub.f32 $0.0e+00, v8  }
0x68: {  	v0 =	vsub.f32 v33, v11  }
0x69: {  	v2 =	vsub.f32 v48, v11;
	v1 =	vmul.f32 $1.442695020e+00, v43  }
0x6a: {  	v44 =	vsub.f32 v35, v11;
	v0 =	vmul.f32 $1.442695020e+00, v0  }
0x6b: {  	v46 =	vsub.f32 v36, v11;
	v45 =	vmul.f32 $1.442695020e+00, v2;
	(erf) = vpow2.f32 v1  }
0x6c: {  	v42 =	vmovc v38;
	v50 =	vsub.f32 v37, v11;
	v47 =	vmul.f32 $1.442695020e+00, v44;
	(erf) = vpow2.f32 v0  }
0x6d: {  	v52 =	vsub.f32 v42, v11;
	v51 =	vmul.f32 $1.442695020e+00, v46;
	(erf) = vpow2.f32 v45  }
0x6e: {  	v53 =	vmul.f32 $1.442695020e+00, v50;
	(erf) = vpow2.f32 v47  }
0x6f: {  	v54 =	vmul.f32 $1.442695020e+00, v52;
	(erf) = vpow2.f32 v51  }
0x70: {  	(erf) = vpow2.f32 v53  }
0x71: {  	(erf) = vpow2.f32 v54;
	_ =	sdelay $0x2  }
0x72: {  	v4 =	vpop (erf)  }
0x73: {  	v55 =	vpop (erf)  }
0x74: {  	v56 =	vpop (erf)  }
0x75: {  	v57 =	vpop (erf)  }
0x76: {  	v58 =	vpop (erf)  }
0x77: {  	v0 =	vadd.f32 v56, v55;
	v59 =	vpop (erf);
	v60 =	vadd.f32 v58, v57  }
0x78: {  	v61 =	vpop (erf)  }
0x79: {  	v2 =	vadd.f32 v61, v59;
	v0 =	vadd.f32 v60, v0;
	_ =	sdelay $0x1  }
0x7a: {  	v46 =	vadd.f32 v0, v2;
	_ =	sdelay $0x1  }
0x7b: {  	v0 =	vadd.s32 $0xC0800000, v46  }
0x7c: {  	v0 =	vcvt.s32.f32 v0;
	_ =	sdelay $0x1  }
0x7d: {  	v0 =	vmul.f32 $8.262958320e-08, v0;
	_ =	sdelay $0x1  }
0x7e: {  	v62 =	vsub.f32 $0.0e+00, v0;
	_ =	sdelay $0x1  }
0x7f: {  	v1 =	vmul.f32 $1.442695020e+00, v62;
	_ =	sdelay $0x1  }
0x80: {  	(erf) = vpow2.f32 v1;
	_ =	sdelay $0x2  }
0x81: {  	v24 =	vld [tilespmem:$0x5A0]  }
0x82: {  	v22 =	vld [tilespmem:$0x620]  }
0x83: {  	v23 =	vld [tilespmem:$0x6A0]  }
0x84: {  	v26 =	vld [tilespmem:$0x520]  }
0x85: {  	v32 =	vld [tilespmem:$0x720]  }
0x86: {  	v40 =	vld [tilespmem:$0x7A0]  }
0x87: {  	v1 =	vpop (erf)  }
0x88: {  	v0 =	vadd.f32 $-1.000000000e+00, v0;
	v1 =	vmul.f32 v1, v46  }
0x89: {  	[tilespmem:$0x1FEE0] =	vst v7  }
0x8a: {  	[tilespmem:$0x1FF00] =	vst v6;
	v7 =	vmax.f32 v22, v23;
	v6 =	vmax.f32 v26, v24;
	v63 =	vadd.f32 v1, v0  }
0x8b: {  	[tilespmem:$0x1FEF0] =	vst v8;
	v8 =	vmax.f32 v32, v40;
	v0 =	vmax.f32 v6, v7  }
0x8c: {  	v12 =	vmax.f32 v0, v8;
	v9 =	vsub.f32 $0.0e+00, v63  }
0x8d: {  	v0 =	vsub.f32 v26, v12  }
0x8e: {  	v2 =	vsub.f32 v24, v12;
	v1 =	vmul.f32 $1.442695020e+00, v9  }
0x8f: {  	v13 =	vsub.f32 v22, v12;
	v0 =	vmul.f32 $1.442695020e+00, v0  }
0x90: {  	v15 =	vsub.f32 v23, v12;
	v14 =	vmul.f32 $1.442695020e+00, v2;
	(erf) = vpow2.f32 v1  }
0x91: {  	v17 =	vsub.f32 v32, v12;
	v16 =	vmul.f32 $1.442695020e+00, v13;
	(erf) = vpow2.f32 v0  }
0x92: {  	v19 =	vsub.f32 v40, v12;
	v18 =	vmul.f32 $1.442695020e+00, v15;
	(erf) = vpow2.f32 v14  }
0x93: {  	v20 =	vmul.f32 $1.442695020e+00, v17;
	(erf) = vpow2.f32 v16  }
0x94: {  	v25 =	vmul.f32 $1.442695020e+00, v19;
	(erf) = vpow2.f32 v18  }
0x95: {  	(erf) = vpow2.f32 v20  }
0x96: {  	(erf) = vpow2.f32 v25;
	_ =	sdelay $0x2  }
0x97: {  	v27 =	vpop (erf)  }
0x98: {  	v28 =	vpop (erf)  }
0x99: {  	v29 =	vpop (erf)  }
0x9a: {  	v31 =	vpop (erf)  }
0x9b: {  	[tilespmem:$0x1FF30] =	vst v35;
	v34 =	vpop (erf)  }
0x9c: {  	[tilespmem:$0x1FF40] =	vst v36;
	v0 =	vadd.f32 v29, v28;
	v35 =	vpop (erf);
	v36 =	vadd.f32 v34, v31  }
0x9d: {  	[tilespmem:$0x1FF50] =	vst v37;
	v37 =	vpop (erf)  }
0x9e: {  	v2 =	vadd.f32 v37, v35;
	v0 =	vadd.f32 v36, v0;
	_ =	sdelay $0x1  }
0x9f: {  	v28 =	vadd.f32 v0, v2;
	_ =	sdelay $0x1  }
0xa0: {  	v0 =	vadd.s32 $0xC0800000, v28  }
0xa1: {  	v0 =	vcvt.s32.f32 v0;
	_ =	sdelay $0x1  }
0xa2: {  	v0 =	vmul.f32 $8.262958320e-08, v0;
	_ =	sdelay $0x1  }
0xa3: {  	[tilespmem:$0x1FF60] =	vst v38;
	v38 =	vsub.f32 $0.0e+00, v0;
	_ =	sdelay $0x1  }
0xa4: {  	v1 =	vmul.f32 $1.442695020e+00, v38;
	_ =	sdelay $0x1  }
0xa5: {  	(erf) = vpow2.f32 v1;
	_ =	sdelay $0x2  }
0xa6: {  	[tilespmem:$0x1FF70] =	vst v27;
	v27 =	vld [tilespmem:$0x7B0]  }
0xa7: {  	v34 =	vld [tilespmem:$0x630]  }
0xa8: {  	v31 =	vld [tilespmem:$0x6B0]  }
0xa9: {  	v36 =	vld [tilespmem:$0x530]  }
0xaa: {  	v35 =	vld [tilespmem:$0x5B0]  }
0xab: {  	v29 =	vld [tilespmem:$0x730]  }
0xac: {  	v1 =	vpop (erf)  }
0xad: {  	v0 =	vadd.f32 $-1.000000000e+00, v0;
	v1 =	vmul.f32 v1, v28;
	_ =	sdelay $0x1  }
0xae: {  	v42 =	vmax.f32 v34, v31;
	v41 =	vmax.f32 v36, v35;
	v39 =	vadd.f32 v1, v0  }
0xaf: {  	v43 =	vmax.f32 v29, v27;
	v0 =	vmax.f32 v41, v42  }
0xb0: {  	v19 =	vmax.f32 v0, v43;
	v44 =	vsub.f32 $0.0e+00, v39  }
0xb1: {  	v0 =	vsub.f32 v36, v19  }
0xb2: {  	v2 =	vsub.f32 v35, v19;
	v1 =	vmul.f32 $1.442695020e+00, v44  }
0xb3: {  	v45 =	vsub.f32 v34, v19;
	v0 =	vmul.f32 $1.442695020e+00, v0  }
0xb4: {  	v50 =	vsub.f32 v31, v19;
	v47 =	vmul.f32 $1.442695020e+00, v2;
	(erf) = vpow2.f32 v1  }
0xb5: {  	v52 =	vsub.f32 v29, v19;
	v51 =	vmul.f32 $1.442695020e+00, v45;
	(erf) = vpow2.f32 v0  }
0xb6: {  	v54 =	vsub.f32 v27, v19;
	v53 =	vmul.f32 $1.442695020e+00, v50;
	(erf) = vpow2.f32 v47  }
0xb7: {  	v55 =	vmul.f32 $1.442695020e+00, v52;
	(erf) = vpow2.f32 v51  }
0xb8: {  	v56 =	vmul.f32 $1.442695020e+00, v54;
	(erf) = vpow2.f32 v53  }
0xb9: {  	(erf) = vpow2.f32 v55  }
0xba: {  	(erf) = vpow2.f32 v56;
	_ =	sdelay $0x2  }
0xbb: {  	v57 =	vpop (erf)  }
0xbc: {  	v58 =	vpop (erf)  }
0xbd: {  	v59 =	vpop (erf)  }
0xbe: {  	v60 =	vpop (erf)  }
0xbf: {  	v61 =	vpop (erf)  }
0xc0: {  	[tilespmem:$0x1FF80] =	vst v63;
	v0 =	vadd.f32 v59, v58;
	v62 =	vpop (erf);
	v63 =	vadd.f32 v61, v60  }
0xc1: {  	[tilespmem:$0x1FF10] =	vst v5;
	v5 =	vpop (erf)  }
0xc2: {  	v2 =	vadd.f32 v5, v62;
	v0 =	vadd.f32 v63, v0;
	_ =	sdelay $0x1  }
0xc3: {  	v38 =	vadd.f32 v0, v2;
	_ =	sdelay $0x1  }
0xc4: {  	v0 =	vadd.s32 $0xC0800000, v38  }
0xc5: {  	v0 =	vcvt.s32.f32 v0;
	_ =	sdelay $0x1  }
0xc6: {  	v0 =	vmul.f32 $8.262958320e-08, v0;
	_ =	sdelay $0x1  }
0xc7: {  	v6 =	vsub.f32 $0.0e+00, v0;
	_ =	sdelay $0x1  }
0xc8: {  	v1 =	vmul.f32 $1.442695020e+00, v6;
	_ =	sdelay $0x1  }
0xc9: {  	(erf) = vpow2.f32 v1;
	_ =	sdelay $0x2  }
0xca: {  	v42 =	vld [tilespmem:$0x6C0]  }
0xcb: {  	v41 =	vld [tilespmem:$0x740]  }
0xcc: {  	v45 =	vld [tilespmem:$0x5C0]  }
0xcd: {  	v44 =	vld [tilespmem:$0x640]  }
0xce: {  	v47 =	vld [tilespmem:$0x540]  }
0xcf: {  	[tilespmem:$0x1FFA0] =	vst v39;
	v39 =	vld [tilespmem:$0x7C0]  }
0xd0: {  	v1 =	vpop (erf)  }
0xd1: {  	v0 =	vadd.f32 $-1.000000000e+00, v0;
	v1 =	vmul.f32 v1, v38;
	_ =	sdelay $0x1  }
0xd2: {  	v9 =	vmax.f32 v44, v42;
	v8 =	vmax.f32 v47, v45;
	v7 =	vadd.f32 v1, v0  }
0xd3: {  	v13 =	vmax.f32 v41, v39;
	v0 =	vmax.f32 v8, v9  }
0xd4: {  	v25 =	vmax.f32 v0, v13;
	v14 =	vsub.f32 $0.0e+00, v7  }
0xd5: {  	v0 =	vsub.f32 v47, v25  }
0xd6: {  	v2 =	vsub.f32 v45, v25;
	v1 =	vmul.f32 $1.442695020e+00, v14  }
0xd7: {  	v15 =	vsub.f32 v44, v25;
	v0 =	vmul.f32 $1.442695020e+00, v0  }
0xd8: {  	v17 =	vsub.f32 v42, v25;
	v16 =	vmul.f32 $1.442695020e+00, v2;
	(erf) = vpow2.f32 v1  }
0xd9: {  	v20 =	vsub.f32 v41, v25;
	v18 =	vmul.f32 $1.442695020e+00, v15;
	(erf) = vpow2.f32 v0  }
0xda: {  	v43 =	vsub.f32 v39, v25;
	v37 =	vmul.f32 $1.442695020e+00, v17;
	(erf) = vpow2.f32 v16  }
0xdb: {  	v50 =	vmul.f32 $1.442695020e+00, v20;
	(erf) = vpow2.f32 v18  }
0xdc: {  	v51 =	vmul.f32 $1.442695020e+00, v43;
	(erf) = vpow2.f32 v37  }
0xdd: {  	(erf) = vpow2.f32 v50  }
0xde: {  	(erf) = vpow2.f32 v51;
	_ =	sdelay $0x2  }
0xdf: {  	v52 =	vpop (erf)  }
0xe0: {  	v53 =	vpop (erf)  }
0xe1: {  	v54 =	vpop (erf)  }
0xe2: {  	v55 =	vpop (erf)  }
0xe3: {  	v56 =	vpop (erf)  }
0xe4: {  	[tilespmem:$0x1FF90] =	vst v57;
	v0 =	vadd.f32 v54, v53;
	v57 =	vpop (erf);
	v58 =	vadd.f32 v56, v55  }
0xe5: {  	v59 =	vpop (erf)  }
0xe6: {  	v2 =	vadd.f32 v59, v57;
	v0 =	vadd.f32 v58, v0;
	_ =	sdelay $0x1  }
0xe7: {  	v43 =	vadd.f32 v0, v2;
	_ =	sdelay $0x1  }
0xe8: {  	v0 =	vadd.s32 $0xC0800000, v43  }
0xe9: {  	v0 =	vcvt.s32.f32 v0;
	_ =	sdelay $0x1  }
0xea: {  	v0 =	vmul.f32 $8.262958320e-08, v0;
	_ =	sdelay $0x1  }
0xeb: {  	v60 =	vsub.f32 $0.0e+00, v0;
	_ =	sdelay $0x1  }
0xec: {  	v1 =	vmul.f32 $1.442695020e+00, v60;
	_ =	sdelay $0x1  }
0xed: {  	(erf) = vpow2.f32 v1;
	_ =	sdelay $0x2  }
0xee: {  	v50 =	vld [tilespmem:$0x7D0]  }
0xef: {  	[tilespmem:$0x1FFC0] =	vst v52;
	v52 =	vld [tilespmem:$0x6D0]  }
0xf0: {  	v54 =	vld [tilespmem:$0x650]  }
0xf1: {  	v56 =	vld [tilespmem:$0x5D0]  }
0xf2: {  	v57 =	vld [tilespmem:$0x550]  }
0xf3: {  	v51 =	vld [tilespmem:$0x750]  }
0xf4: {  	v1 =	vpop (erf)  }
0xf5: {  	v0 =	vadd.f32 $-1.000000000e+00, v0;
	v1 =	vmul.f32 v1, v43;
	_ =	sdelay $0x1  }
0xf6: {  	v63 =	vmax.f32 v54, v52;
	v62 =	vmax.f32 v57, v56;
	v61 =	vadd.f32 v1, v0  }
0xf7: {  	v5 =	vmax.f32 v51, v50;
	v0 =	vmax.f32 v62, v63  }
0xf8: {  	v37 =	vmax.f32 v0, v5;
	v6 =	vsub.f32 $0.0e+00, v61  }
0xf9: {  	v0 =	vsub.f32 v57, v37  }
0xfa: {  	v2 =	vsub.f32 v56, v37;
	v1 =	vmul.f32 $1.442695020e+00, v6  }
0xfb: {  	[tilespmem:$0x1FFB0] =	vst v7;
	v7 =	vsub.f32 v54, v37;
	v0 =	vmul.f32 $1.442695020e+00, v0  }
0xfc: {  	v9 =	vsub.f32 v52, v37;
	v8 =	vmul.f32 $1.442695020e+00, v2;
	(erf) = vpow2.f32 v1  }
0xfd: {  	v14 =	vsub.f32 v51, v37;
	v13 =	vmul.f32 $1.442695020e+00, v7;
	(erf) = vpow2.f32 v0  }
0xfe: {  	v16 =	vsub.f32 v50, v37;
	v15 =	vmul.f32 $1.442695020e+00, v9;
	(erf) = vpow2.f32 v8  }
0xff: {  	v17 =	vmul.f32 $1.442695020e+00, v14;
	(erf) = vpow2.f32 v13  }
0x100: {  	v18 =	vmul.f32 $1.442695020e+00, v16;
	(erf) = vpow2.f32 v15  }
0x101: {  	(erf) = vpow2.f32 v17  }
0x102: {  	(erf) = vpow2.f32 v18;
	_ =	sdelay $0x2  }
0x103: {  	v20 =	vpop (erf)  }
0x104: {  	v53 =	vpop (erf)  }
0x105: {  	v55 =	vpop (erf)  }
0x106: {  	v58 =	vpop (erf)  }
0x107: {  	v59 =	vpop (erf)  }
0x108: {  	[tilespmem:$0x1FFE0] =	vst v61;
	v0 =	vadd.f32 v55, v53;
	v60 =	vpop (erf);
	v61 =	vadd.f32 v59, v58  }
0x109: {  	v62 =	vpop (erf)  }
0x10a: {  	v2 =	vadd.f32 v62, v60;
	v0 =	vadd.f32 v61, v0;
	_ =	sdelay $0x1  }
0x10b: {  	v55 =	vadd.f32 v0, v2;
	_ =	sdelay $0x1  }
0x10c: {  	v0 =	vadd.s32 $0xC0800000, v55  }
0x10d: {  	v0 =	vcvt.s32.f32 v0;
	_ =	sdelay $0x1  }
0x10e: {  	v0 =	vmul.f32 $8.262958320e-08, v0;
	_ =	sdelay $0x1  }
0x10f: {  	v63 =	vsub.f32 $0.0e+00, v0;
	_ =	sdelay $0x1  }
0x110: {  	v1 =	vmul.f32 $1.442695020e+00, v63;
	_ =	sdelay $0x1  }
0x111: {  	(erf) = vpow2.f32 v1;
	_ =	sdelay $0x2  }
0x112: {  	v15 =	vld [tilespmem:$0x560]  }
0x113: {  	v17 =	vld [tilespmem:$0x5E0]  }
0x114: {  	v18 =	vld [tilespmem:$0x660]  }
0x115: {  	v61 =	vld [tilespmem:$0x760]  }
0x116: {  	v63 =	vld [tilespmem:$0x6E0]  }
0x117: {  	v60 =	vld [tilespmem:$0x7E0]  }
0x118: {  	v1 =	vpop (erf)  }
0x119: {  	v0 =	vadd.f32 $-1.000000000e+00, v0;
	v1 =	vmul.f32 v1, v55;
	_ =	sdelay $0x1  }
0x11a: {  	v5 =	vmax.f32 v15, v17;
	v6 =	vmax.f32 v18, v63;
	v59 =	vadd.f32 v1, v0  }
0x11b: {  	v7 =	vmax.f32 v61, v60;
	v0 =	vmax.f32 v5, v6  }
0x11c: {  	v53 =	vmax.f32 v0, v7;
	v8 =	vsub.f32 $0.0e+00, v59  }
0x11d: {  	v1 =	vsub.f32 v15, v53  }
0x11e: {  	v9 =	vsub.f32 v17, v53;
	v0 =	vmul.f32 $1.442695020e+00, v8  }
0x11f: {  	v13 =	vsub.f32 v18, v53;
	v1 =	vmul.f32 $1.442695020e+00, v1  }
0x120: {  	v16 =	vsub.f32 v63, v53;
	v14 =	vmul.f32 $1.442695020e+00, v9;
	(erf) = vpow2.f32 v0  }
0x121: {  	[tilespmem:$0x1FFD0] =	vst v20;
	v58 =	vsub.f32 v61, v53;
	v20 =	vmul.f32 $1.442695020e+00, v13;
	(erf) = vpow2.f32 v1  }
0x122: {  	v5 =	vsub.f32 v60, v53;
	v62 =	vmul.f32 $1.442695020e+00, v16;
	(erf) = vpow2.f32 v14  }
0x123: {  	v6 =	vmul.f32 $1.442695020e+00, v58;
	(erf) = vpow2.f32 v20  }
0x124: {  	v7 =	vmul.f32 $1.442695020e+00, v5;
	(erf) = vpow2.f32 v62  }
0x125: {  	(erf) = vpow2.f32 v6  }
0x126: {  	(erf) = vpow2.f32 v7;
	_ =	sdelay $0x2  }
0x127: {  	v8 =	vpop (erf)  }
0x128: {  	v9 =	vpop (erf)  }
0x129: {  	v13 =	vpop (erf)  }
0x12a: {  	v14 =	vpop (erf)  }
0x12b: {  	v16 =	vpop (erf)  }
0x12c: {  	v0 =	vadd.f32 v13, v9;
	v20 =	vadd.f32 v16, v14;
	v58 =	vpop (erf)  }
0x12d: {  	v62 =	vpop (erf)  }
0x12e: {  	v2 =	vadd.f32 v62, v58;
	v0 =	vadd.f32 v20, v0;
	_ =	sdelay $0x1  }
0x12f: {  	v14 =	vadd.f32 v0, v2;
	_ =	sdelay $0x1  }
0x130: {  	v0 =	vadd.s32 $0xC0800000, v14  }
0x131: {  	v0 =	vcvt.s32.f32 v0;
	_ =	sdelay $0x1  }
0x132: {  	v0 =	vmul.f32 $8.262958320e-08, v0;
	_ =	sdelay $0x1  }
0x133: {  	v5 =	vsub.f32 $0.0e+00, v0;
	_ =	sdelay $0x1  }
0x134: {  	v1 =	vmul.f32 $1.442695020e+00, v5;
	_ =	sdelay $0x1  }
0x135: {  	(erf) = vpow2.f32 v1;
	_ =	sdelay $0x2  }
0x136: {  	v7 =	vld [tilespmem:$0x570]  }
0x137: {  	[tilespmem:$0x1FFF0] =	vst v8;
	v8 =	vld [tilespmem:$0x5F0]  }
0x138: {  	v9 =	vld [tilespmem:$0x670]  }
0x139: {  	v16 =	vld [tilespmem:$0x6F0]  }
0x13a: {  	v20 =	vld [tilespmem:$0x770]  }
0x13b: {  	v62 =	vld [tilespmem:$0x7F0]  }
0x13c: {  	v13 =	vpop (erf)  }
0x13d: {  	v0 =	vadd.f32 $-1.000000000e+00, v0;
	v13 =	vmul.f32 v13, v14;
	_ =	sdelay $0x1  }
0x13e: {  	v6 =	vmax.f32 v7, v8;
	v58 =	vmax.f32 v9, v16;
	v13 =	vadd.f32 v13, v0  }
0x13f: {  	[tilespmem:$0x1FF20] =	vst v3;
	v3 =	vmax.f32 v20, v62;
	v0 =	vmax.f32 v6, v58  }
0x140: {  	v6 =	vmax.f32 v0, v3;
	v5 =	vsub.f32 $0.0e+00, v13  }
0x141: {  	v0 =	vsub.f32 v7, v6  }
0x142: {  	v1 =	vsub.f32 v8, v6;
	v58 =	vmul.f32 $1.442695020e+00, v5  }
0x143: {  	v0 =	vmul.f32 $1.442695020e+00, v0;
	v5 =	vsub.f32 v9, v6  }
0x144: {  	v1 =	vmul.f32 $1.442695020e+00, v1;
	(erf) = vpow2.f32 v58;
	v58 =	vsub.f32 v16, v6  }
0x145: {  	v3 =	vmul.f32 $1.442695020e+00, v5;
	v5 =	vsub.f32 v62, v6;
	(erf) = vpow2.f32 v0  }
0x146: {  	(erf) = vpow2.f32 v1;
	v1 =	vmul.f32 $1.442695020e+00, v58;
	v58 =	vld [tilespmem:$0x380]  }
0x147: {  	v2 =	vsub.f32 v20, v6;
	v0 =	vmul.f32 $1.442695020e+00, v5;
	v5 =	vld [tilespmem:$0x1FEE0];
	_ =	sdelay $0x1  }
0x148: {  	v2 =	vmul.f32 $1.442695020e+00, v2;
	(erf) = vpow2.f32 v3  }
0x149: {  	(erf) = vpow2.f32 v1  }
0x14a: {  	(erf) = vpow2.f32 v2;
	vm0 =	veq.s32 v58, $0x0  }
0x14b: {  	(erf) = vpow2.f32 v0;
	vm6 =	veq.s32 v58, $0x1;
	v0 =	vnsel vm0, $0x0, v5  }
0x14c: {  	v3 =	vsel vm6, v21, v0;
	v21 =	vld [tilespmem:$0x1FEF0];
	_ =	sdelay $0x4  }
0x14d: {  	v2 =	vmul.f32 v4, v30;
	v30 =	vadd.f32 $-1.000000000e+00, v21;
	_ =	sdelay $0x1  }
0x14e: {  	vm7 =	veq.s32 v58, $0x2;
	v2 =	vadd.f32 v2, v30;
	v30 =	vld [tilespmem:$0x1FF00]  }
0x14f: {  	v3 =	vsel vm7, v49, v3;
	v49 =	vld [tilespmem:$0x1FF10];
	_ =	sdelay $0x2  }
0x150: {  	vm8 =	veq.s32 v58, $0x3  }
0x151: {  	vm1 =	veq.s32 v58, $0x4;
	v3 =	vsel vm8, v30, v3  }
0x152: {  	v3 =	vsel vm1, v49, v3;
	v49 =	vld [tilespmem:$0x1FF20]  }
0x153: {  	v1 =	vld [tilespmem:$0x390];
	_ =	sdelay $0x2  }
0x154: {  	vm11 =	veq.s32 v58, $0x5;
	v21 =	vpop (erf)  }
0x155: {  	v4 =	vpop (erf);
	v3 =	vsel vm11, v49, v3;
	v49 =	vld [tilespmem:$0x1FF30]  }
0x156: {  	vm9 =	veq.s32 v1, $0x0;
	v30 =	vpop (erf)  }
0x157: {  	vm10 =	veq.s32 v1, $0x1;
	v33 =	vnsel vm9, $0x0, v33;
	v0 =	vpop (erf)  }
0x158: {  	v58 =	vld [tilespmem:$0x400];
	v33 =	vsel vm10, v48, v33;
	v48 =	vpop (erf)  }
0x159: {  	vm12 =	veq.s32 v1, $0x2;
	v4 =	vadd.f32 v30, v4;
	v0 =	vadd.f32 v48, v0;
	v30 =	vpop (erf);
	v48 =	vld [tilespmem:$0x3A0]  }
0x15a: {  	v5 =	vld [tilespmem:$0x800];
	v33 =	vsel vm12, v49, v33;
	v49 =	vpop (erf)  }
0x15b: {  	v2 =	vadd.f32 v2, v10;
	v10 =	vadd.f32 v49, v30;
	v30 =	vld [tilespmem:$0x1FF40]  }
0x15c: {  	v13 =	vadd.f32 $-1.000000000e+00, v13;
	vm13 =	veq.s32 v1, $0x3;
	v0 =	vadd.f32 v0, v4;
	v49 =	vld [tilespmem:$0x1FF50]  }
0x15d: {  	vm14 =	veq.s32 v1, $0x4;
	vm15 =	veq.s32 v1, $0x5;
	v14 =	vmul.f32 v21, v14  }
0x15e: {  	v2 =	vsub.f32 v2, v3;
	vm4 =	veq.s32 v48, $0x0;
	v1 =	vadd.f32 v0, v10  }
0x15f: {  	vm5 =	veq.s32 v48, $0x1;
	vm6 =	veq.s32 v48, $0x2;
	v0 =	vsub.f32 v5, v58;
	v58 =	vld [tilespmem:$0x1FF70]  }
0x160: {  	v10 =	vadd.s32 $0xC0800000, v1;
	v3 =	vsel vm13, v30, v33;
	v30 =	vld [tilespmem:$0x1FF60];
	v33 =	vnsel vm4, $0x0, v26  }
0x161: {  	v10 =	vcvt.s32.f32 v10;
	v3 =	vsel vm14, v49, v3;
	v49 =	vld [tilespmem:$0x3B0];
	v4 =	vsel vm5, v24, v33  }
0x162: {  	v13 =	vadd.f32 v14, v13;
	vm7 =	veq.s32 v48, $0x3;
	v4 =	vsel vm6, v22, v4  }
0x163: {  	vm8 =	veq.s32 v48, $0x4;
	v26 =	vld [tilespmem:$0x3C0];
	v10 =	vmul.f32 $8.262958320e-08, v10;
	v4 =	vsel vm7, v23, v4  }
0x164: {  	vm9 =	veq.s32 v48, $0x5;
	v24 =	vmul.f32 v58, v46;
	v46 =	vld [tilespmem:$0x410];
	v4 =	vsel vm8, v32, v4  }
0x165: {  	v32 =	vsub.f32 $0.0e+00, v10;
	v3 =	vsel vm15, v30, v3;
	v30 =	vld [tilespmem:$0x1FF80];
	v4 =	vsel vm9, v40, v4  }
0x166: {  	v40 =	vld [tilespmem:$0x810];
	vm10 =	veq.s32 v49, $0x0;
	vm11 =	veq.s32 v49, $0x1;
	vm12 =	veq.s32 v49, $0x2  }
0x167: {  	vm13 =	veq.s32 v49, $0x3;
	vm14 =	veq.s32 v49, $0x4;
	vm15 =	veq.s32 v49, $0x5;
	v49 =	vld [tilespmem:$0x820]  }
0x168: {  	v23 =	vmul.f32 $1.442695020e+00, v32;
	v32 =	vld [tilespmem:$0x420]  }
0x169: {  	v13 =	vadd.f32 v13, v53;
	v33 =	vnsel vm10, $0x0, v36;
	v36 =	vld [tilespmem:$0x1FF90]  }
0x16a: {  	v0 =	vand.u32 $0x7FFFFFFF, v0;
	v10 =	vadd.f32 $-1.000000000e+00, v10;
	vm4 =	veq.s32 v26, $0x0  }
0x16b: {  	vm5 =	veq.s32 v26, $0x1;
	vm6 =	veq.s32 v26, $0x2;
	vm7 =	veq.s32 v26, $0x3  }
0x16c: {  	v48 =	vld [tilespmem:$0x1FFA0];
	vm8 =	veq.s32 v26, $0x4;
	(erf) = vpow2.f32 v23;
	v22 =	vadd.f32 $-1.000000000e+00, v30  }
0x16d: {  	vm9 =	veq.s32 v26, $0x5;
	v23 =	vsub.f32 v40, v46;
	v5 =	vsub.f32 v49, v32  }
0x16e: {  	v22 =	vadd.f32 v24, v22;
	v24 =	vsel vm11, v35, v33;
	v28 =	vmul.f32 v36, v28;
	v35 =	vld [tilespmem:$0x3D0]  }
0x16f: {  	v23 =	vand.u32 $0x7FFFFFFF, v23;
	v24 =	vsel vm12, v34, v24;
	v34 =	vnsel vm4, $0x0, v47  }
0x170: {  	v5 =	vand.u32 $0x7FFFFFFF, v5;
	v24 =	vsel vm13, v31, v24;
	v11 =	vadd.f32 v22, v11  }
0x171: {  	v40 =	vld [tilespmem:$0x1FFB0];
	v36 =	vsel vm5, v45, v34;
	v24 =	vsel vm14, v29, v24;
	v29 =	vadd.f32 $-1.000000000e+00, v48  }
0x172: {  	v47 =	vld [tilespmem:$0x830];
	v58 =	vsel vm15, v27, v24;
	v3 =	vsub.f32 v11, v3;
	v11 =	vsel vm6, v44, v36  }
0x173: {  	v45 =	vld [tilespmem:$0x3E0];
	v33 =	vadd.f32 v28, v29;
	v11 =	vsel vm7, v42, v11;
	vm10 =	veq.s32 v35, $0x0  }
0x174: {  	v22 =	vld [tilespmem:$0x480];
	vm11 =	veq.s32 v35, $0x1;
	vm12 =	veq.s32 v35, $0x2;
	vm13 =	veq.s32 v35, $0x3  }
0x175: {  	v44 =	vpop (erf);
	vm14 =	veq.s32 v35, $0x4;
	vm15 =	veq.s32 v35, $0x5;
	v11 =	vsel vm8, v41, v11;
	v41 =	vld [tilespmem:$0x1FFC0]  }
0x176: {  	v48 =	vld [tilespmem:$0x430];
	v35 =	vadd.f32 $-1.000000000e+00, v59;
	v42 =	vnsel vm10, $0x0, v57;
	v27 =	vmul.f32 v44, v1  }
0x177: {  	v44 =	vld [tilespmem:$0x4F0];
	v12 =	vadd.f32 v33, v12;
	v11 =	vsel vm9, v39, v11;
	v46 =	vsel vm11, v56, v42  }
0x178: {  	vm4 =	veq.s32 v45, $0x0;
	vm5 =	veq.s32 v45, $0x1;
	vm6 =	veq.s32 v45, $0x2;
	v56 =	vld [tilespmem:$0x1FFE0]  }
0x179: {  	v10 =	vadd.f32 v27, v10;
	v15 =	vnsel vm4, $0x0, v15;
	v27 =	vld [tilespmem:$0x4A0];
	v4 =	vsub.f32 v12, v4  }
0x17a: {  	v12 =	vadd.f32 $-1.000000000e+00, v40;
	v15 =	vsel vm5, v17, v15;
	v40 =	vld [tilespmem:$0x450];
	v24 =	vmul.f32 v41, v38  }
0x17b: {  	vm7 =	veq.s32 v45, $0x3;
	vm8 =	veq.s32 v45, $0x4;
	v15 =	vsel vm6, v18, v15;
	v18 =	vld [tilespmem:$0x490]  }
0x17c: {  	v15 =	vsel vm7, v63, v15;
	v63 =	vld [tilespmem:$0x440];
	v12 =	vadd.f32 v24, v12;
	v24 =	vsel vm12, v54, v46  }
0x17d: {  	vm9 =	veq.s32 v45, $0x5;
	v26 =	vsub.f32 v47, v48;
	v38 =	vld [tilespmem:$0x850];
	v49 =	vsel vm13, v52, v24  }
0x17e: {  	v41 =	vld [tilespmem:$0x4E0];
	v12 =	vadd.f32 v12, v19;
	v19 =	vsel vm14, v51, v49;
	v51 =	vsub.f32 $0.0e+00, v10  }
0x17f: {  	v2 =	vmul.f32 v2, v22;
	v0 =	vmul.f32 v0, v22;
	v15 =	vsel vm8, v61, v15;
	v61 =	vld [tilespmem:$0x840]  }
0x180: {  	v47 =	vand.u32 $0x7FFFFFFF, v26;
	v54 =	vld [tilespmem:$0x1FFD0];
	v15 =	vsel vm9, v60, v15;
	v24 =	vmul.f32 $1.442695020e+00, v51  }
0x181: {  	v4 =	vmul.f32 v4, v27;
	v5 =	vmul.f32 v5, v27;
	v52 =	vld [tilespmem:$0x3F0];
	v13 =	vsub.f32 v13, v15  }
0x182: {  	v57 =	vld [tilespmem:$0x4B0];
	v3 =	vmul.f32 v3, v18;
	v10 =	vadd.f32 $-1.000000000e+00, v10;
	(erf) = vpow2.f32 v24  }
0x183: {  	v23 =	vmul.f32 v23, v18;
	v14 =	vsub.f32 v38, v40;
	v59 =	vadd.f32 v44, v41  }
0x184: {  	v19 =	vsel vm15, v50, v19;
	v12 =	vsub.f32 v12, v58;
	v49 =	vsub.f32 v61, v63  }
0x185: {  	v36 =	vld [tilespmem:$0x4D0];
	v2 =	vadd.f32 v3, v2;
	v0 =	vadd.f32 v23, v0;
	v17 =	vmul.f32 v54, v43  }
0x186: {  	v60 =	vld [tilespmem:$0x1FFF0];
	v24 =	vadd.f32 $-1.000000000e+00, v56;
	vm10 =	veq.s32 v52, $0x0;
	vm11 =	veq.s32 v52, $0x1  }
0x187: {  	v58 =	vld [tilespmem:$0x4C0];
	vm12 =	veq.s32 v52, $0x2;
	vm13 =	veq.s32 v52, $0x3;
	v43 =	vmul.f32 v12, v57  }
0x188: {  	vm14 =	veq.s32 v52, $0x4;
	vm15 =	veq.s32 v52, $0x5;
	v51 =	vand.u32 $0x7FFFFFFF, v49  }
0x189: {  	v52 =	vand.u32 $0x7FFFFFFF, v14;
	v56 =	vadd.f32 v18, v22;
	v7 =	vnsel vm10, $0x0, v7  }
0x18a: {  	v42 =	vld [tilespmem:$0x860];
	v53 =	vmul.f32 v52, v36;
	v17 =	vadd.f32 v17, v24;
	v7 =	vsel vm11, v8, v7  }
0x18b: {  	v45 =	vld [tilespmem:$0x460];
	v50 =	vadd.f32 v43, v4;
	v7 =	vsel vm12, v9, v7;
	v9 =	vmul.f32 v60, v55;
	v39 =	vpop (erf)  }
0x18c: {  	v48 =	vld [tilespmem:$0x470];
	v4 =	vmul.f32 v51, v58;
	v17 =	vadd.f32 v17, v25;
	v1 =	vmul.f32 v39, v1  }
0x18d: {  	v46 =	vld [tilespmem:$0x870];
	v13 =	vmul.f32 v13, v41;
	v2 =	vadd.f32 v50, v2;
	v9 =	vadd.f32 v9, v35  }
0x18e: {  	v7 =	vsel vm13, v16, v7;
	v3 =	vadd.f32 v53, v4;
	v1 =	vadd.f32 v1, v10  }
0x18f: {  	v7 =	vsel vm14, v20, v7;
	v11 =	vsub.f32 v17, v11;
	v9 =	vadd.f32 v9, v37  }
0x190: {  	v17 =	vmul.f32 v47, v57;
	v57 =	vadd.f32 v57, v27;
	v1 =	vadd.f32 v1, v6  }
0x191: {  	v7 =	vsel vm15, v62, v7;
	v9 =	vsub.f32 v9, v19;
	v6 =	vsub.f32 v42, v45  }
0x192: {  	v11 =	vmul.f32 v11, v58;
	v1 =	vsub.f32 v1, v7;
	v7 =	vsub.f32 v46, v48  }
0x193: {  	v54 =	vadd.f32 v17, v5;
	v58 =	vadd.f32 v36, v58;
	v9 =	vmul.f32 v9, v36  }
0x194: {  	v6 =	vand.u32 $0x7FFFFFFF, v6;
	v1 =	vmul.f32 v1, v44;
	v7 =	vand.u32 $0x7FFFFFFF, v7  }
0x195: {  	v61 =	vadd.f32 v57, v56;
	v6 =	vmul.f32 v6, v41;
	v7 =	vmul.f32 v7, v44  }
0x196: {  	v9 =	vadd.f32 v9, v11;
	v1 =	vadd.f32 v1, v13  }
0x197: {  	v62 =	vadd.f32 v59, v58;
	v55 =	vadd.f32 v7, v6  }
0x198: {  	v0 =	vadd.f32 v54, v0;
	v1 =	vadd.f32 v1, v9  }
0x199: {  	v63 =	vadd.f32 v62, v61;
	v60 =	vadd.f32 v55, v3  }
0x19a: {  	s30 =	smul.u32 $0xC0, s4;
	v1 =	vadd.f32 v1, v2  }
0x19b: {  	[tilespmem:$0x8A0] =	vst v63;
	v0 =	vadd.f32 v60, v0  }
0x19c: {  	s5 =	sshrl.u32 s30, $0x2;
	[tilespmem:$0x880] =	vst v1  }
0x19d: {  	s5 =	sadd.s32 s5, s3;
	s31 =	simm.s32 $0x880;
	[tilespmem:$0x890] =	vst v0  }
0x19e: {  	[spmem:s5] =	stream.linear.scatter [tilespmem:s31], [sflag:$0x4], $0x30, $0x38;
	[tilespmem:$0xCB0] =	vst v63  }
0x19f: {  	s5 =	simm.s32 $0x4  }
0x1a0: {  	_ =	swait.ge [sflag:s5], $0x30  }
0x1a1: {  	[sflag:s5] =	ssyncset.done $0x0  }
0x1a2: {  	[sflag:s5] =	ssyncadd.s32 $0xFFFFFFD0  }
0x1a3: {  	p0 =	sne.s32 s4, $0x0;
	[bflag:$0x0] =	sbarrier.arrive $0xFFFF  }
0x1a4: {  	_ =	sfence.sel @p0 $0x180000  }
0x1a5: {  	[bflag:$0x0] =	sbarrier.arrive @p0 $0xFFFF  }
0x1a6: {  	_ =	strace @p0 $0x90000047  }
0x1a7: {  	[bflag:$0x2] =	sbarrier.arrive @p0 $0xFFFF  }
0x1a8: {  	_ =	shalt @p0  }
.LBB2_1:
0x1a9: {  	s4 =	simm.s32 $0x900  }
0x1aa: {  	[tilespmem:s4], [sflag:$0x4] =	stream.linear.gather [spmem:s3], $0x300, $0x38;
	[tilespmem:$0xCB0] =	vst v63  }
0x1ab: {  	_ =	swait.ge [sflag:s5], $0x300  }
0x1ac: {  	[sflag:s5] =	ssyncset.done $0x0  }
0x1ad: {  	[sflag:s5] =	ssyncadd.s32 $0xFFFFFD00  }
0x1ae: {  	v0 =	vld [tilespmem:$0x900]  }
0x1af: {  	v1 =	vld [tilespmem:$0x910]  }
0x1b0: {  	v2 =	vld [tilespmem:$0x920]  }
0x1b1: {  	v3 =	vld [tilespmem:$0x930]  }
0x1b2: {  	v4 =	vld [tilespmem:$0x940]  }
0x1b3: {  	v5 =	vld [tilespmem:$0x950]  }
0x1b4: {  	v6 =	vld [tilespmem:$0x960]  }
0x1b5: {  	v7 =	vld [tilespmem:$0x970]  }
0x1b6: {  	v8 =	vld [tilespmem:$0x980]  }
0x1b7: {  	v9 =	vld [tilespmem:$0x990]  }
0x1b8: {  	v10 =	vld [tilespmem:$0x9A0]  }
0x1b9: {  	v11 =	vld [tilespmem:$0x9B0]  }
0x1ba: {  	v12 =	vld [tilespmem:$0x9C0]  }
0x1bb: {  	v13 =	vld [tilespmem:$0x9D0]  }
0x1bc: {  	v14 =	vld [tilespmem:$0x9E0]  }
0x1bd: {  	v15 =	vld [tilespmem:$0x9F0]  }
0x1be: {  	v16 =	vld [tilespmem:$0xA00]  }
0x1bf: {  	v17 =	vld [tilespmem:$0xA10]  }
0x1c0: {  	v18 =	vld [tilespmem:$0xA20]  }
0x1c1: {  	v19 =	vld [tilespmem:$0xA30]  }
0x1c2: {  	v20 =	vld [tilespmem:$0xA40]  }
0x1c3: {  	v21 =	vld [tilespmem:$0xA50]  }
0x1c4: {  	v37 =	vld [tilespmem:$0xA60];
	v0 =	vadd.f32 v3, v0  }
0x1c5: {  	v38 =	vld [tilespmem:$0xA70];
	v1 =	vadd.f32 v4, v1  }
0x1c6: {  	v39 =	vld [tilespmem:$0xA80];
	v2 =	vadd.f32 v5, v2;
	v0 =	vadd.f32 v6, v0  }
0x1c7: {  	v40 =	vld [tilespmem:$0xA90];
	v1 =	vadd.f32 v7, v1  }
0x1c8: {  	v41 =	vld [tilespmem:$0xAA0];
	v2 =	vadd.f32 v8, v2;
	v0 =	vadd.f32 v9, v0  }
0x1c9: {  	v42 =	vld [tilespmem:$0xAB0];
	v1 =	vadd.f32 v10, v1  }
0x1ca: {  	v43 =	vld [tilespmem:$0xAC0];
	v2 =	vadd.f32 v11, v2;
	v0 =	vadd.f32 v12, v0  }
0x1cb: {  	v44 =	vld [tilespmem:$0xAD0];
	v1 =	vadd.f32 v13, v1  }
0x1cc: {  	v45 =	vld [tilespmem:$0xAE0];
	v2 =	vadd.f32 v14, v2;
	v0 =	vadd.f32 v15, v0  }
0x1cd: {  	v46 =	vld [tilespmem:$0xAF0];
	v1 =	vadd.f32 v16, v1  }
0x1ce: {  	v47 =	vld [tilespmem:$0xB00];
	v2 =	vadd.f32 v17, v2;
	v0 =	vadd.f32 v18, v0  }
0x1cf: {  	v48 =	vld [tilespmem:$0xB10];
	v1 =	vadd.f32 v19, v1  }
0x1d0: {  	v49 =	vld [tilespmem:$0xB20];
	v2 =	vadd.f32 v20, v2;
	v0 =	vadd.f32 v21, v0  }
0x1d1: {  	v50 =	vld [tilespmem:$0xB30];
	v1 =	vadd.f32 v37, v1  }
0x1d2: {  	v51 =	vld [tilespmem:$0xB40];
	v2 =	vadd.f32 v38, v2;
	v0 =	vadd.f32 v39, v0  }
0x1d3: {  	v52 =	vld [tilespmem:$0xB50];
	v1 =	vadd.f32 v40, v1  }
0x1d4: {  	v53 =	vld [tilespmem:$0xB60];
	v2 =	vadd.f32 v41, v2;
	v0 =	vadd.f32 v42, v0  }
0x1d5: {  	v54 =	vld [tilespmem:$0xB70];
	v1 =	vadd.f32 v43, v1  }
0x1d6: {  	v55 =	vld [tilespmem:$0xB80];
	v2 =	vadd.f32 v44, v2;
	v0 =	vadd.f32 v45, v0  }
0x1d7: {  	v56 =	vld [tilespmem:$0xB90];
	v1 =	vadd.f32 v46, v1  }
0x1d8: {  	v57 =	vld [tilespmem:$0xBA0];
	v2 =	vadd.f32 v47, v2;
	v0 =	vadd.f32 v48, v0  }
0x1d9: {  	v58 =	vld [tilespmem:$0xBB0];
	v1 =	vadd.f32 v49, v1  }
0x1da: {  	v59 =	vld [tilespmem:$0xBC0];
	v2 =	vadd.f32 v50, v2;
	v0 =	vadd.f32 v51, v0  }
0x1db: {  	v60 =	vld [tilespmem:$0xBD0];
	v1 =	vadd.f32 v52, v1  }
0x1dc: {  	v61 =	vld [tilespmem:$0xBE0];
	v2 =	vadd.f32 v53, v2;
	v0 =	vadd.f32 v54, v0  }
0x1dd: {  	v62 =	vld [tilespmem:$0xBF0];
	v1 =	vadd.f32 v55, v1  }
0x1de: {  	v2 =	vadd.f32 v56, v2;
	v0 =	vadd.f32 v57, v0  }
0x1df: {  	v1 =	vadd.f32 v58, v1  }
0x1e0: {  	v2 =	vadd.f32 v59, v2;
	v0 =	vadd.f32 v60, v0  }
0x1e1: {  	v1 =	vadd.f32 v61, v1  }
0x1e2: {  	v2 =	vadd.f32 v62, v2;
	(xrf2) =	vadd.scan.msk.f32 $0xffff, v0  }
0x1e3: {  	(xrf2) =	vadd.scan.msk.f32 $0xffff, v1  }
0x1e4: {  	(xrf2) =	vadd.scan.msk.f32 $0xffff, v2;
	_ =	sdelay $0x7  }
0x1e5: {  	v0, _, _ =	vpop (xrf2)  }
0x1e6: {  	v1, _, _ =	vpop (xrf2)  }
0x1e7: {  	v2, _, _ =	vpop (xrf2)  }
0x1e8: {  	v2 =	vmax.f32 v2, $1.000000000e+00  }
0x1e9: {  	v2 =	vbroadcast v2, $0xF;
	_ =	sdelay $0x1  }
0x1ea: {  	(erf) = vrcp.f32 v2;
	_ =	sdelay $0x7  }
0x1eb: {  	v1 =	vbroadcast v1, $0xF  }
0x1ec: {  	v2 =	vpop (erf)  }
0x1ed: {  	v0 =	vbroadcast v0, $0xF;
	v1 =	vmul.f32 v2, v1;
	_ =	sdelay $0x1  }
0x1ee: {  	v0 =	vmul.f32 v2, v0;
	v63 =	vmul.f32 $1.000000010e-01, v1;
	_ =	sdelay $0x1  }
0x1ef: {  	v2 =	vadd.f32 v63, v0  }
0x1f0: {  	vm0 =	vcmask $0x3F08  }
0x1f1: {  	vm15 =	vmmov $0x1;
	v1 =	vsel vm0, v2, v1  }
0x1f2: {  	v0 =	vsel vm15, v0, v1  }
0x1f3: {  	s1 =	sadd.s32 $0x1600, s1;
	s31 =	simm.s32 $0xC00;
	[tilespmem:$0xC00] =	vst v0  }
0x1f4: {  	[hbm4b:s1+s2] =	stream.linear.scatter [tilespmem:s31], [sflag:$0x4], $0x80, $0x38;
	[tilespmem:$0xCB0] =	vst v63  }
0x1f5: {  	_ =	swait.ge [sflag:s5], $0x80  }
0x1f6: {  	[sflag:s5] =	ssyncset.done $0x0  }
0x1f7: {  	[sflag:s5] =	ssyncadd.s32 $0xFFFFFF80  }
0x1f8: {  	_ =	sfence.sel $0x180000  }
0x1f9: {  	[bflag:$0x0] =	sbarrier.arrive $0xFFFF  }
0x1fa: {  	_ =	strace $0x90000047  }
0x1fb: {  	s0 =	sadd.s32 $0x100000, s0;
	[bflag:$0x2] =	sbarrier.arrive $0xFFFF  }
0x1fc: {  	[sflag:s0] =	ssyncadd.tile.s32 $0x1;
	_ =	shalt  }
.Lfunc_end2:
_tile_overlayer_lowered:
.L_overlay_start_2:
0x1fd: {  	(tag) =	ssettag $0x2  }
0x1fe: {  	s0 =	rddreg [dreg:$0x0];
	s2 =	stileid.u32  }
0x1ff: {  	s1 =	rddreg [dreg:$0x1];
	p0 =	sne.s32 s2, $0x0  }
0x200: {  	s3 =	rddreg [dreg:$0x2];
	[bflag:$0x3] =	sbarrier.arrive $0xFFFF;
	s2 =	simm.s32 @!p0 $0x1C04  }
0x201: {  	[timem:s3], [sflag:s2] =	dma.local @!p0 [hbm:s0], s1  }
0x202: {  	s0 =	simm.s32 @!p0 $0x4  }
0x203: {  	_ =	swait.ge @!p0 [sflag:s0], s1  }
0x204: {  	s1 =	ssub.s32 @!p0 $0x0, s1;
	[sflag:s0] =	ssyncset.done @!p0 $0x0  }
0x205: {  	[sflag:s0] =	ssyncadd.s32 @!p0 s1  }
0x206: {  	[bflag:$0x3] =	sbarrier.arrive $0xFFFF  }
0x207: {  	_ =	shalt  }

</sc_bundles>
